<compile_context>
chip_gen: v7x
topology: tpu7x:2x2x1
jax: 0.10.2.dev20260603
libtpu: 0.0.44.dev20260713+nightly
codegen_flags: <defaults>
</compile_context>

<pallas_src>
import functools
import numpy as np
import jax
import jax.numpy as jnp
from jax import lax
from jax.experimental import pallas as pl
from jax.experimental.pallas import tpu as pltpu
from jax.experimental.pallas import tpu_sc as plsc

NUM_CAMERA = 100000
BATCH = 16384
C_ROT = np.float32(5.0 / 180.0 * np.pi)
C_TR = np.float32(0.1)

NC, NS, L = 2, 16, 16
NW = NC * NS
BPW = BATCH // NW


def _tanh(x):
    e = jnp.exp(-2.0 * jnp.abs(x))
    return jnp.sign(x) * (1.0 - e) / (1.0 + e)


def _body(rot_hbm, tr_hbm, idx_hbm, out_hbm,
          i0, rx, ry, rz, tx, ty, tz, stage, s0, s1, s2, s3):
    sems = (s0, s1, s2, s3)
    wid = lax.axis_index("s") * NC + lax.axis_index("c")
    base = wid * BPW

    pltpu.sync_copy(idx_hbm.at[pl.ds(base, BPW)], i0)
    N = NUM_CAMERA
    copies = [
        pltpu.async_copy(rot_hbm.at[pl.ds(0, N)].at[i0], rx, sems[0]),
        pltpu.async_copy(rot_hbm.at[pl.ds(N, N)].at[i0], ry, sems[1]),
        pltpu.async_copy(rot_hbm.at[pl.ds(2 * N, N)].at[i0], rz, sems[2]),
        pltpu.async_copy(tr_hbm.at[pl.ds(0, N)].at[i0], tx, sems[3]),
        pltpu.async_copy(tr_hbm.at[pl.ds(N, N)].at[i0], ty, sems[0]),
        pltpu.async_copy(tr_hbm.at[pl.ds(2 * N, N)].at[i0], tz, sems[1]),
    ]

    zero = jnp.zeros((L,), jnp.float32)
    one = jnp.ones((L,), jnp.float32)

    def chunk(k, _):
        s = pl.ds(k * L, L)
        ax = C_ROT * _tanh(rx[s])
        ay = C_ROT * _tanh(ry[s])
        az = C_ROT * _tanh(rz[s])
        vtx = C_TR * _tanh(tx[s])
        vty = C_TR * _tanh(ty[s])
        vtz = C_TR * _tanh(tz[s])

        x2, y2, z2 = ax * ax, ay * ay, az * az
        t2 = x2 + y2 + z2
        a = 1.0 + t2 * (-1.0 / 6.0 + t2 * (1.0 / 120.0 + t2 * (-1.0 / 5040.0)))
        b = 0.5 + t2 * (-1.0 / 24.0 + t2 * (1.0 / 720.0 + t2 * (-1.0 / 40320.0)))

        bxy, bxz, byz = b * ax * ay, b * ax * az, b * ay * az
        aX, aY, aZ = a * ax, a * ay, a * az
        vals = (
            1.0 - b * (y2 + z2), bxy - aZ, bxz + aY, vtx,
            bxy + aZ, 1.0 - b * (x2 + z2), byz - aX, vty,
            bxz - aY, byz + aX, 1.0 - b * (x2 + y2), vtz,
            zero, zero, zero, one,
        )
        for p, v in enumerate(vals):
            stage[p, s] = v
        return ()

    for cp in copies:
        cp.wait()
    lax.fori_loop(0, BPW // L, chunk, (), unroll=2)
    pltpu.sync_copy(stage, out_hbm.at[:, pl.ds(base, BPW)])


@jax.jit
def _run(rotations, translations, camera_idx):
    mesh = plsc.VectorSubcoreMesh(
        core_axis_name="c", subcore_axis_name="s", num_cores=NC, num_subcores=NS
    )
    f = pl.kernel(
        _body,
        out_type=jax.ShapeDtypeStruct((16, BATCH), jnp.float32),
        mesh=mesh,
        compiler_params=pltpu.CompilerParams(needs_layout_passes=False),
        scratch_types=[
            pltpu.VMEM((BPW,), jnp.int32),
            pltpu.VMEM((BPW,), jnp.float32),
            pltpu.VMEM((BPW,), jnp.float32),
            pltpu.VMEM((BPW,), jnp.float32),
            pltpu.VMEM((BPW,), jnp.float32),
            pltpu.VMEM((BPW,), jnp.float32),
            pltpu.VMEM((BPW,), jnp.float32),
            pltpu.VMEM((16, BPW), jnp.float32),
            pltpu.SemaphoreType.DMA,
            pltpu.SemaphoreType.DMA,
            pltpu.SemaphoreType.DMA,
            pltpu.SemaphoreType.DMA,
        ],
    )
    rot_t = jnp.transpose(rotations).reshape(-1)
    tr_t = jnp.transpose(translations).reshape(-1)
    out = f(rot_t, tr_t, camera_idx)
    return out.reshape(4, 4, BATCH).transpose(2, 0, 1)


def kernel(rotations, translations, camera_idx):
    return _run(rotations, translations, camera_idx.astype(jnp.int32))

# --- scband reference (transcript-rebuilt; emitter-appended) ---
"""Pipeline reference for scband-extrinsic-model-62740882260168 (READ-ONLY COPY).

The authoritative reference and input builder live on the scoring server;
editing this copy changes nothing except your own understanding.
"""

import jax, jax.numpy as jnp
import numpy as np

NUM_CAMERA = 100000
BATCH = 16384
ROTATION_DEG = 5.0
TRANSLATION_M = 0.1


def axis_angle_to_matrix(axis_angle):
    # Rodrigues formula, equivalent to pytorch3d.transforms.axis_angle_to_matrix
    theta2 = jnp.sum(axis_angle * axis_angle, axis=-1)  # (N,)
    theta = jnp.sqrt(jnp.maximum(theta2, 1e-30))
    small = theta < 1e-4
    safe_theta = jnp.where(small, 1.0, theta)
    sin_t = jnp.sin(theta)
    cos_t = jnp.cos(theta)
    a = jnp.where(small, 1.0 - theta2 / 6.0, sin_t / safe_theta)
    b = jnp.where(small, 0.5 - theta2 / 24.0, (1.0 - cos_t) / (safe_theta * safe_theta))
    x = axis_angle[..., 0]
    y = axis_angle[..., 1]
    z = axis_angle[..., 2]
    zero = jnp.zeros_like(x)
    K = jnp.stack([
        jnp.stack([zero, -z, y], axis=-1),
        jnp.stack([z, zero, -x], axis=-1),
        jnp.stack([-y, x, zero], axis=-1),
    ], axis=-2)  # (N, 3, 3)
    I = jnp.eye(3, dtype=axis_angle.dtype)
    KK = jnp.matmul(K, K)
    R = I + a[..., None, None] * K + b[..., None, None] * KK
    return R


def convert3x4_4x4(mat34):
    # (N, 3, 4) -> (N, 4, 4)
    bottom = jnp.zeros((mat34.shape[0], 1, 4), dtype=mat34.dtype)
    poses = jnp.concatenate([mat34, bottom], axis=1)
    poses = poses.at[:, 3, 3].set(1.0)
    return poses


def setup_inputs(seed: int = 0) -> dict:
    key = jax.random.key(seed)
    k1, k2, k3 = jax.random.split(key, 3)
    camera_idx = jax.random.randint(k1, (BATCH,), 0, NUM_CAMERA)
    # learned parameters (nn.Parameter tables); initialized small so tanh/Rodrigues are non-degenerate
    rotations = jax.random.normal(k2, (NUM_CAMERA, 3), dtype=jnp.float32) * 0.1
    translations = jax.random.normal(k3, (NUM_CAMERA, 3), dtype=jnp.float32) * 0.1
    return {"rotations": rotations, "translations": translations, "camera_idx": camera_idx}


def reference(rotations, translations, camera_idx):
    t = jnp.take(translations, camera_idx, axis=0)  # (B, 3) gather
    r = jnp.take(rotations, camera_idx, axis=0)     # (B, 3) gather
    aa = (ROTATION_DEG / 180.0 * np.pi) * jnp.tanh(r)
    rots = axis_angle_to_matrix(aa)                 # (B, 3, 3)
    trans = TRANSLATION_M * jnp.tanh(t)[..., None]  # (B, 3, 1)
    mat34 = jnp.concatenate([rots, trans], axis=2)  # (B, 3, 4)
    poses = convert3x4_4x4(mat34)                   # (B, 4, 4)
    return poses

if __name__ == "__main__":
    import jax
    _d = setup_inputs()
    print(jax.jit(kernel)(*tuple(_d.values())))

</pallas_src>

<mosaic_0001>
#map = affine_map<(d0, d1) -> (0)>
#map1 = affine_map<(d0, d1) -> (0, 0)>
module attributes {stable_mosaic.version = 14 : i64} {
  func.func @_body(%arg0: i32, %arg1: i32, %arg2: memref<300000xf32, #tpu.memory_space<hbm>>, %arg3: memref<300000xf32, #tpu.memory_space<hbm>>, %arg4: memref<16384xi32, #tpu.memory_space<hbm>>, %arg5: memref<16x16384xf32, #tpu.memory_space<hbm>>, %arg6: memref<512xi32, #tpu.memory_space<vmem>>, %arg7: memref<512xf32, #tpu.memory_space<vmem>>, %arg8: memref<512xf32, #tpu.memory_space<vmem>>, %arg9: memref<512xf32, #tpu.memory_space<vmem>>, %arg10: memref<512xf32, #tpu.memory_space<vmem>>, %arg11: memref<512xf32, #tpu.memory_space<vmem>>, %arg12: memref<512xf32, #tpu.memory_space<vmem>>, %arg13: memref<16x512xf32, #tpu.memory_space<vmem>>, %arg14: memref<!tpu.dma_semaphore, #tpu.memory_space<semaphore_mem>>, %arg15: memref<!tpu.dma_semaphore, #tpu.memory_space<semaphore_mem>>, %arg16: memref<!tpu.dma_semaphore, #tpu.memory_space<semaphore_mem>>, %arg17: memref<!tpu.dma_semaphore, #tpu.memory_space<semaphore_mem>>) attributes {dimension_semantics = [#tpu.dimension_semantics<core_parallel>, #tpu.dimension_semantics<subcore_parallel>], iteration_bounds = array<i64: 2, 16>, scalar_prefetch = 0 : i64, scratch_operands = 12 : i64, tpu.core_type = #tpu.core_type<sc_vector_subcore>, window_params = [{transform_indices = #map}, {transform_indices = #map}, {transform_indices = #map}, {transform_indices = #map1}]} {
    %mul3A = arith.constant 2 : i32
    %mul3A_0 = arith.muli %arg1, %mul3A : i32
    %add3A = arith.addi %mul3A_0, %arg0 : i32
    %mul3A_1 = arith.constant 512 : i32
    %mul3A_2 = arith.muli %add3A, %mul3A_1 : i32
    "tpu.region"() ({
      %run_scoped3A = tpu.sem_alloc : memref<!tpu.dma_semaphore, #tpu.memory_space<semaphore_mem>>
      %dma_start3A_56 = tpu.memref_slice %arg4[%mul3A_2] : memref<16384xi32, #tpu.memory_space<hbm>> -> memref<512xi32, #tpu.memory_space<hbm>>
      %dma_start3A_57 = tpu.memref_slice %arg4[%mul3A_2] : memref<16384xi32, #tpu.memory_space<hbm>> -> memref<512xi32, #tpu.memory_space<hbm>>
      tpu.enqueue_dma source(%dma_start3A_57 : memref<512xi32, #tpu.memory_space<hbm>>) target(%arg6 : memref<512xi32, #tpu.memory_space<vmem>>) target_semaphore(%run_scoped3A : memref<!tpu.dma_semaphore, #tpu.memory_space<semaphore_mem>>)
      %dma_wait3A_58 = tpu.memref_slice %arg4[%mul3A_2] : memref<16384xi32, #tpu.memory_space<hbm>> -> memref<512xi32, #tpu.memory_space<hbm>>
      %dma_wait3A_59 = tpu.memref_slice %arg4[%mul3A_2] : memref<16384xi32, #tpu.memory_space<hbm>> -> memref<512xi32, #tpu.memory_space<hbm>>
      tpu.wait_dma2 semaphore(%run_scoped3A : memref<!tpu.dma_semaphore, #tpu.memory_space<semaphore_mem>>) src(%dma_wait3A_59 : memref<512xi32, #tpu.memory_space<hbm>>) dst(%arg6 : memref<512xi32, #tpu.memory_space<vmem>>)
      tpu.yield
    }) : () -> ()
    %dma_start3A = arith.constant 0 : i32
    %dma_start3A_3 = tpu.memref_slice %arg2[%dma_start3A] : memref<300000xf32, #tpu.memory_space<hbm>> -> memref<100000xf32, #tpu.memory_space<hbm>>
    %dma_start3A_4 = arith.constant 0 : i32
    %dma_start3A_5 = tpu.memref_slice %dma_start3A_3[%dma_start3A_4] : memref<100000xf32, #tpu.memory_space<hbm>> -> memref<100000xf32, #tpu.memory_space<hbm>>
    tpu.enqueue_indirect_dma source(%dma_start3A_5 : memref<100000xf32, #tpu.memory_space<hbm>>) target(%arg7 : memref<512xf32, #tpu.memory_space<vmem>>) offsets(%arg6 : memref<512xi32, #tpu.memory_space<vmem>>) semaphore(%arg14 : memref<!tpu.dma_semaphore, #tpu.memory_space<semaphore_mem>>)
    %dma_start3A_6 = arith.constant 100000 : i32
    %dma_start3A_7 = tpu.memref_slice %arg2[%dma_start3A_6] : memref<300000xf32, #tpu.memory_space<hbm>> -> memref<100000xf32, #tpu.memory_space<hbm>>
    %dma_start3A_8 = arith.constant 0 : i32
    %dma_start3A_9 = tpu.memref_slice %dma_start3A_7[%dma_start3A_8] : memref<100000xf32, #tpu.memory_space<hbm>> -> memref<100000xf32, #tpu.memory_space<hbm>>
    tpu.enqueue_indirect_dma source(%dma_start3A_9 : memref<100000xf32, #tpu.memory_space<hbm>>) target(%arg8 : memref<512xf32, #tpu.memory_space<vmem>>) offsets(%arg6 : memref<512xi32, #tpu.memory_space<vmem>>) semaphore(%arg15 : memref<!tpu.dma_semaphore, #tpu.memory_space<semaphore_mem>>)
    %dma_start3A_10 = arith.constant 200000 : i32
    %dma_start3A_11 = tpu.memref_slice %arg2[%dma_start3A_10] : memref<300000xf32, #tpu.memory_space<hbm>> -> memref<100000xf32, #tpu.memory_space<hbm>>
    %dma_start3A_12 = arith.constant 0 : i32
    %dma_start3A_13 = tpu.memref_slice %dma_start3A_11[%dma_start3A_12] : memref<100000xf32, #tpu.memory_space<hbm>> -> memref<100000xf32, #tpu.memory_space<hbm>>
    tpu.enqueue_indirect_dma source(%dma_start3A_13 : memref<100000xf32, #tpu.memory_space<hbm>>) target(%arg9 : memref<512xf32, #tpu.memory_space<vmem>>) offsets(%arg6 : memref<512xi32, #tpu.memory_space<vmem>>) semaphore(%arg16 : memref<!tpu.dma_semaphore, #tpu.memory_space<semaphore_mem>>)
    %dma_start3A_14 = arith.constant 0 : i32
    %dma_start3A_15 = tpu.memref_slice %arg3[%dma_start3A_14] : memref<300000xf32, #tpu.memory_space<hbm>> -> memref<100000xf32, #tpu.memory_space<hbm>>
    %dma_start3A_16 = arith.constant 0 : i32
    %dma_start3A_17 = tpu.memref_slice %dma_start3A_15[%dma_start3A_16] : memref<100000xf32, #tpu.memory_space<hbm>> -> memref<100000xf32, #tpu.memory_space<hbm>>
    tpu.enqueue_indirect_dma source(%dma_start3A_17 : memref<100000xf32, #tpu.memory_space<hbm>>) target(%arg10 : memref<512xf32, #tpu.memory_space<vmem>>) offsets(%arg6 : memref<512xi32, #tpu.memory_space<vmem>>) semaphore(%arg17 : memref<!tpu.dma_semaphore, #tpu.memory_space<semaphore_mem>>)
    %dma_start3A_18 = arith.constant 100000 : i32
    %dma_start3A_19 = tpu.memref_slice %arg3[%dma_start3A_18] : memref<300000xf32, #tpu.memory_space<hbm>> -> memref<100000xf32, #tpu.memory_space<hbm>>
    %dma_start3A_20 = arith.constant 0 : i32
    %dma_start3A_21 = tpu.memref_slice %dma_start3A_19[%dma_start3A_20] : memref<100000xf32, #tpu.memory_space<hbm>> -> memref<100000xf32, #tpu.memory_space<hbm>>
    tpu.enqueue_indirect_dma source(%dma_start3A_21 : memref<100000xf32, #tpu.memory_space<hbm>>) target(%arg11 : memref<512xf32, #tpu.memory_space<vmem>>) offsets(%arg6 : memref<512xi32, #tpu.memory_space<vmem>>) semaphore(%arg14 : memref<!tpu.dma_semaphore, #tpu.memory_space<semaphore_mem>>)
    %dma_start3A_22 = arith.constant 200000 : i32
    %dma_start3A_23 = tpu.memref_slice %arg3[%dma_start3A_22] : memref<300000xf32, #tpu.memory_space<hbm>> -> memref<100000xf32, #tpu.memory_space<hbm>>
    %dma_start3A_24 = arith.constant 0 : i32
    %dma_start3A_25 = tpu.memref_slice %dma_start3A_23[%dma_start3A_24] : memref<100000xf32, #tpu.memory_space<hbm>> -> memref<100000xf32, #tpu.memory_space<hbm>>
    tpu.enqueue_indirect_dma source(%dma_start3A_25 : memref<100000xf32, #tpu.memory_space<hbm>>) target(%arg12 : memref<512xf32, #tpu.memory_space<vmem>>) offsets(%arg6 : memref<512xi32, #tpu.memory_space<vmem>>) semaphore(%arg15 : memref<!tpu.dma_semaphore, #tpu.memory_space<semaphore_mem>>)
    %broadcast_in_dim3A = arith.constant 0.000000e+00 : f32
    %broadcast_in_dim3A_26 = vector.broadcast %broadcast_in_dim3A : f32 to vector<16xf32>
    %broadcast_in_dim3A_27 = arith.constant 1.000000e+00 : f32
    %broadcast_in_dim3A_28 = vector.broadcast %broadcast_in_dim3A_27 : f32 to vector<16xf32>
    %dma_wait3A = arith.constant 0 : i32
    %dma_wait3A_29 = tpu.memref_slice %arg2[%dma_wait3A] : memref<300000xf32, #tpu.memory_space<hbm>> -> memref<100000xf32, #tpu.memory_space<hbm>>
    %dma_wait3A_30 = arith.constant 0 : i32
    %dma_wait3A_31 = tpu.memref_slice %dma_wait3A_29[%dma_wait3A_30] : memref<100000xf32, #tpu.memory_space<hbm>> -> memref<100000xf32, #tpu.memory_space<hbm>>
    tpu.wait_indirect_dma semaphore(%arg14 : memref<!tpu.dma_semaphore, #tpu.memory_space<semaphore_mem>>) src(%dma_wait3A_31 : memref<100000xf32, #tpu.memory_space<hbm>>) dst(%arg7 : memref<512xf32, #tpu.memory_space<vmem>>)
    %dma_wait3A_32 = arith.constant 100000 : i32
    %dma_wait3A_33 = tpu.memref_slice %arg2[%dma_wait3A_32] : memref<300000xf32, #tpu.memory_space<hbm>> -> memref<100000xf32, #tpu.memory_space<hbm>>
    %dma_wait3A_34 = arith.constant 0 : i32
    %dma_wait3A_35 = tpu.memref_slice %dma_wait3A_33[%dma_wait3A_34] : memref<100000xf32, #tpu.memory_space<hbm>> -> memref<100000xf32, #tpu.memory_space<hbm>>
    tpu.wait_indirect_dma semaphore(%arg15 : memref<!tpu.dma_semaphore, #tpu.memory_space<semaphore_mem>>) src(%dma_wait3A_35 : memref<100000xf32, #tpu.memory_space<hbm>>) dst(%arg8 : memref<512xf32, #tpu.memory_space<vmem>>)
    %dma_wait3A_36 = arith.constant 200000 : i32
    %dma_wait3A_37 = tpu.memref_slice %arg2[%dma_wait3A_36] : memref<300000xf32, #tpu.memory_space<hbm>> -> memref<100000xf32, #tpu.memory_space<hbm>>
    %dma_wait3A_38 = arith.constant 0 : i32
    %dma_wait3A_39 = tpu.memref_slice %dma_wait3A_37[%dma_wait3A_38] : memref<100000xf32, #tpu.memory_space<hbm>> -> memref<100000xf32, #tpu.memory_space<hbm>>
    tpu.wait_indirect_dma semaphore(%arg16 : memref<!tpu.dma_semaphore, #tpu.memory_space<semaphore_mem>>) src(%dma_wait3A_39 : memref<100000xf32, #tpu.memory_space<hbm>>) dst(%arg9 : memref<512xf32, #tpu.memory_space<vmem>>)
    %dma_wait3A_40 = arith.constant 0 : i32
    %dma_wait3A_41 = tpu.memref_slice %arg3[%dma_wait3A_40] : memref<300000xf32, #tpu.memory_space<hbm>> -> memref<100000xf32, #tpu.memory_space<hbm>>
    %dma_wait3A_42 = arith.constant 0 : i32
    %dma_wait3A_43 = tpu.memref_slice %dma_wait3A_41[%dma_wait3A_42] : memref<100000xf32, #tpu.memory_space<hbm>> -> memref<100000xf32, #tpu.memory_space<hbm>>
    tpu.wait_indirect_dma semaphore(%arg17 : memref<!tpu.dma_semaphore, #tpu.memory_space<semaphore_mem>>) src(%dma_wait3A_43 : memref<100000xf32, #tpu.memory_space<hbm>>) dst(%arg10 : memref<512xf32, #tpu.memory_space<vmem>>)
    %dma_wait3A_44 = arith.constant 100000 : i32
    %dma_wait3A_45 = tpu.memref_slice %arg3[%dma_wait3A_44] : memref<300000xf32, #tpu.memory_space<hbm>> -> memref<100000xf32, #tpu.memory_space<hbm>>
    %dma_wait3A_46 = arith.constant 0 : i32
    %dma_wait3A_47 = tpu.memref_slice %dma_wait3A_45[%dma_wait3A_46] : memref<100000xf32, #tpu.memory_space<hbm>> -> memref<100000xf32, #tpu.memory_space<hbm>>
    tpu.wait_indirect_dma semaphore(%arg14 : memref<!tpu.dma_semaphore, #tpu.memory_space<semaphore_mem>>) src(%dma_wait3A_47 : memref<100000xf32, #tpu.memory_space<hbm>>) dst(%arg11 : memref<512xf32, #tpu.memory_space<vmem>>)
    %dma_wait3A_48 = arith.constant 200000 : i32
    %dma_wait3A_49 = tpu.memref_slice %arg3[%dma_wait3A_48] : memref<300000xf32, #tpu.memory_space<hbm>> -> memref<100000xf32, #tpu.memory_space<hbm>>
    %dma_wait3A_50 = arith.constant 0 : i32
    %dma_wait3A_51 = tpu.memref_slice %dma_wait3A_49[%dma_wait3A_50] : memref<100000xf32, #tpu.memory_space<hbm>> -> memref<100000xf32, #tpu.memory_space<hbm>>
    tpu.wait_indirect_dma semaphore(%arg15 : memref<!tpu.dma_semaphore, #tpu.memory_space<semaphore_mem>>) src(%dma_wait3A_51 : memref<100000xf32, #tpu.memory_space<hbm>>) dst(%arg12 : memref<512xf32, #tpu.memory_space<vmem>>)
    %scan3A = arith.constant 0 : i32
    %scan3A_52 = arith.constant 32 : i32
    %scan3A_53 = arith.addi %scan3A, %scan3A_52 : i32
    %scan3A_54 = arith.constant 2 : i32
    scf.for %scan3A_56 = %scan3A to %scan3A_53 step %scan3A_54  : i32 {
      %mul3A_57 = arith.constant 16 : i32
      %mul3A_58 = arith.muli %scan3A_56, %mul3A_57 : i32
      %get3A = arith.index_cast %mul3A_58 : i32 to index
      %get3A_59 = tpu.vector_load %arg7[%get3A] {strides = array<i32>} : memref<512xf32, #tpu.memory_space<vmem>>, vector<16xf32>,
      %abs3A = math.absf %get3A_59 : vector<16xf32>
      %mul3A_60 = arith.constant -2.000000e+00 : f32
      %mul3A_61 = vector.broadcast %mul3A_60 : f32 to vector<16xf32>
      %mul3A_62 = arith.mulf %mul3A_61, %abs3A : vector<16xf32>
      %exp3A = math.exp %mul3A_62 : vector<16xf32>
      %sign3A = tpu.bitcast %get3A_59 : vector<16xf32> -> vector<16xi32>
      %sign3A_63 = arith.constant -2147483648 : i32
      %sign3A_64 = vector.broadcast %sign3A_63 : i32 to vector<16xi32>
      %sign3A_65 = arith.andi %sign3A, %sign3A_64 : vector<16xi32>
      %sign3A_66 = arith.constant 1065353216 : i32
      %sign3A_67 = vector.broadcast %sign3A_66 : i32 to vector<16xi32>
      %sign3A_68 = arith.ori %sign3A_67, %sign3A_65 : vector<16xi32>
      %sign3A_69 = tpu.bitcast %sign3A_68 : vector<16xi32> -> vector<16xf32>
      %sign3A_70 = math.absf %get3A_59 : vector<16xf32>
      %sign3A_71 = arith.constant 0.000000e+00 : f32
      %sign3A_72 = vector.broadcast %sign3A_71 : f32 to vector<16xf32>
      %sign3A_73 = arith.cmpf ogt, %sign3A_70, %sign3A_72 : vector<16xf32>
      %sign3A_74 = arith.select %sign3A_73, %sign3A_69, %get3A_59 : vector<16xi1>, vector<16xf32>
      %sub3A = arith.constant 1.000000e+00 : f32
      %sub3A_75 = vector.broadcast %sub3A : f32 to vector<16xf32>
      %sub3A_76 = arith.subf %sub3A_75, %exp3A : vector<16xf32>
      %mul3A_77 = arith.mulf %sign3A_74, %sub3A_76 : vector<16xf32>
      %add3A_78 = arith.constant 1.000000e+00 : f32
      %add3A_79 = vector.broadcast %add3A_78 : f32 to vector<16xf32>
      %add3A_80 = arith.addf %add3A_79, %exp3A : vector<16xf32>
      %div3A = arith.divf %mul3A_77, %add3A_80 : vector<16xf32>
      %mul3A_81 = arith.constant 0.0872664601 : f32
      %mul3A_82 = vector.broadcast %mul3A_81 : f32 to vector<16xf32>
      %mul3A_83 = arith.mulf %mul3A_82, %div3A : vector<16xf32>
      %get3A_84 = arith.index_cast %mul3A_58 : i32 to index
      %get3A_85 = tpu.vector_load %arg8[%get3A_84] {strides = array<i32>} : memref<512xf32, #tpu.memory_space<vmem>>, vector<16xf32>,
      %abs3A_86 = math.absf %get3A_85 : vector<16xf32>
      %mul3A_87 = arith.constant -2.000000e+00 : f32
      %mul3A_88 = vector.broadcast %mul3A_87 : f32 to vector<16xf32>
      %mul3A_89 = arith.mulf %mul3A_88, %abs3A_86 : vector<16xf32>
      %exp3A_90 = math.exp %mul3A_89 : vector<16xf32>
      %sign3A_91 = tpu.bitcast %get3A_85 : vector<16xf32> -> vector<16xi32>
      %sign3A_92 = arith.constant -2147483648 : i32
      %sign3A_93 = vector.broadcast %sign3A_92 : i32 to vector<16xi32>
      %sign3A_94 = arith.andi %sign3A_91, %sign3A_93 : vector<16xi32>
      %sign3A_95 = arith.constant 1065353216 : i32
      %sign3A_96 = vector.broadcast %sign3A_95 : i32 to vector<16xi32>
      %sign3A_97 = arith.ori %sign3A_96, %sign3A_94 : vector<16xi32>
      %sign3A_98 = tpu.bitcast %sign3A_97 : vector<16xi32> -> vector<16xf32>
      %sign3A_99 = math.absf %get3A_85 : vector<16xf32>
      %sign3A_100 = arith.constant 0.000000e+00 : f32
      %sign3A_101 = vector.broadcast %sign3A_100 : f32 to vector<16xf32>
      %sign3A_102 = arith.cmpf ogt, %sign3A_99, %sign3A_101 : vector<16xf32>
      %sign3A_103 = arith.select %sign3A_102, %sign3A_98, %get3A_85 : vector<16xi1>, vector<16xf32>
      %sub3A_104 = arith.constant 1.000000e+00 : f32
      %sub3A_105 = vector.broadcast %sub3A_104 : f32 to vector<16xf32>
      %sub3A_106 = arith.subf %sub3A_105, %exp3A_90 : vector<16xf32>
      %mul3A_107 = arith.mulf %sign3A_103, %sub3A_106 : vector<16xf32>
      %add3A_108 = arith.constant 1.000000e+00 : f32
      %add3A_109 = vector.broadcast %add3A_108 : f32 to vector<16xf32>
      %add3A_110 = arith.addf %add3A_109, %exp3A_90 : vector<16xf32>
      %div3A_111 = arith.divf %mul3A_107, %add3A_110 : vector<16xf32>
      %mul3A_112 = arith.constant 0.0872664601 : f32
      %mul3A_113 = vector.broadcast %mul3A_112 : f32 to vector<16xf32>
      %mul3A_114 = arith.mulf %mul3A_113, %div3A_111 : vector<16xf32>
      %get3A_115 = arith.index_cast %mul3A_58 : i32 to index
      %get3A_116 = tpu.vector_load %arg9[%get3A_115] {strides = array<i32>} : memref<512xf32, #tpu.memory_space<vmem>>, vector<16xf32>,
      %abs3A_117 = math.absf %get3A_116 : vector<16xf32>
      %mul3A_118 = arith.constant -2.000000e+00 : f32
      %mul3A_119 = vector.broadcast %mul3A_118 : f32 to vector<16xf32>
      %mul3A_120 = arith.mulf %mul3A_119, %abs3A_117 : vector<16xf32>
      %exp3A_121 = math.exp %mul3A_120 : vector<16xf32>
      %sign3A_122 = tpu.bitcast %get3A_116 : vector<16xf32> -> vector<16xi32>
      %sign3A_123 = arith.constant -2147483648 : i32
      %sign3A_124 = vector.broadcast %sign3A_123 : i32 to vector<16xi32>
      %sign3A_125 = arith.andi %sign3A_122, %sign3A_124 : vector<16xi32>
      %sign3A_126 = arith.constant 1065353216 : i32
      %sign3A_127 = vector.broadcast %sign3A_126 : i32 to vector<16xi32>
      %sign3A_128 = arith.ori %sign3A_127, %sign3A_125 : vector<16xi32>
      %sign3A_129 = tpu.bitcast %sign3A_128 : vector<16xi32> -> vector<16xf32>
      %sign3A_130 = math.absf %get3A_116 : vector<16xf32>
      %sign3A_131 = arith.constant 0.000000e+00 : f32
      %sign3A_132 = vector.broadcast %sign3A_131 : f32 to vector<16xf32>
      %sign3A_133 = arith.cmpf ogt, %sign3A_130, %sign3A_132 : vector<16xf32>
      %sign3A_134 = arith.select %sign3A_133, %sign3A_129, %get3A_116 : vector<16xi1>, vector<16xf32>
      %sub3A_135 = arith.constant 1.000000e+00 : f32
      %sub3A_136 = vector.broadcast %sub3A_135 : f32 to vector<16xf32>
      %sub3A_137 = arith.subf %sub3A_136, %exp3A_121 : vector<16xf32>
      %mul3A_138 = arith.mulf %sign3A_134, %sub3A_137 : vector<16xf32>
      %add3A_139 = arith.constant 1.000000e+00 : f32
      %add3A_140 = vector.broadcast %add3A_139 : f32 to vector<16xf32>
      %add3A_141 = arith.addf %add3A_140, %exp3A_121 : vector<16xf32>
      %div3A_142 = arith.divf %mul3A_138, %add3A_141 : vector<16xf32>
      %mul3A_143 = arith.constant 0.0872664601 : f32
      %mul3A_144 = vector.broadcast %mul3A_143 : f32 to vector<16xf32>
      %mul3A_145 = arith.mulf %mul3A_144, %div3A_142 : vector<16xf32>
      %get3A_146 = arith.index_cast %mul3A_58 : i32 to index
      %get3A_147 = tpu.vector_load %arg10[%get3A_146] {strides = array<i32>} : memref<512xf32, #tpu.memory_space<vmem>>, vector<16xf32>,
      %abs3A_148 = math.absf %get3A_147 : vector<16xf32>
      %mul3A_149 = arith.constant -2.000000e+00 : f32
      %mul3A_150 = vector.broadcast %mul3A_149 : f32 to vector<16xf32>
      %mul3A_151 = arith.mulf %mul3A_150, %abs3A_148 : vector<16xf32>
      %exp3A_152 = math.exp %mul3A_151 : vector<16xf32>
      %sign3A_153 = tpu.bitcast %get3A_147 : vector<16xf32> -> vector<16xi32>
      %sign3A_154 = arith.constant -2147483648 : i32
      %sign3A_155 = vector.broadcast %sign3A_154 : i32 to vector<16xi32>
      %sign3A_156 = arith.andi %sign3A_153, %sign3A_155 : vector<16xi32>
      %sign3A_157 = arith.constant 1065353216 : i32
      %sign3A_158 = vector.broadcast %sign3A_157 : i32 to vector<16xi32>
      %sign3A_159 = arith.ori %sign3A_158, %sign3A_156 : vector<16xi32>
      %sign3A_160 = tpu.bitcast %sign3A_159 : vector<16xi32> -> vector<16xf32>
      %sign3A_161 = math.absf %get3A_147 : vector<16xf32>
      %sign3A_162 = arith.constant 0.000000e+00 : f32
      %sign3A_163 = vector.broadcast %sign3A_162 : f32 to vector<16xf32>
      %sign3A_164 = arith.cmpf ogt, %sign3A_161, %sign3A_163 : vector<16xf32>
      %sign3A_165 = arith.select %sign3A_164, %sign3A_160, %get3A_147 : vector<16xi1>, vector<16xf32>
      %sub3A_166 = arith.constant 1.000000e+00 : f32
      %sub3A_167 = vector.broadcast %sub3A_166 : f32 to vector<16xf32>
      %sub3A_168 = arith.subf %sub3A_167, %exp3A_152 : vector<16xf32>
      %mul3A_169 = arith.mulf %sign3A_165, %sub3A_168 : vector<16xf32>
      %add3A_170 = arith.constant 1.000000e+00 : f32
      %add3A_171 = vector.broadcast %add3A_170 : f32 to vector<16xf32>
      %add3A_172 = arith.addf %add3A_171, %exp3A_152 : vector<16xf32>
      %div3A_173 = arith.divf %mul3A_169, %add3A_172 : vector<16xf32>
      %mul3A_174 = arith.constant 1.000000e-01 : f32
      %mul3A_175 = vector.broadcast %mul3A_174 : f32 to vector<16xf32>
      %mul3A_176 = arith.mulf %mul3A_175, %div3A_173 : vector<16xf32>
      %get3A_177 = arith.index_cast %mul3A_58 : i32 to index
      %get3A_178 = tpu.vector_load %arg11[%get3A_177] {strides = array<i32>} : memref<512xf32, #tpu.memory_space<vmem>>, vector<16xf32>,
      %abs3A_179 = math.absf %get3A_178 : vector<16xf32>
      %mul3A_180 = arith.constant -2.000000e+00 : f32
      %mul3A_181 = vector.broadcast %mul3A_180 : f32 to vector<16xf32>
      %mul3A_182 = arith.mulf %mul3A_181, %abs3A_179 : vector<16xf32>
      %exp3A_183 = math.exp %mul3A_182 : vector<16xf32>
      %sign3A_184 = tpu.bitcast %get3A_178 : vector<16xf32> -> vector<16xi32>
      %sign3A_185 = arith.constant -2147483648 : i32
      %sign3A_186 = vector.broadcast %sign3A_185 : i32 to vector<16xi32>
      %sign3A_187 = arith.andi %sign3A_184, %sign3A_186 : vector<16xi32>
      %sign3A_188 = arith.constant 1065353216 : i32
      %sign3A_189 = vector.broadcast %sign3A_188 : i32 to vector<16xi32>
      %sign3A_190 = arith.ori %sign3A_189, %sign3A_187 : vector<16xi32>
      %sign3A_191 = tpu.bitcast %sign3A_190 : vector<16xi32> -> vector<16xf32>
      %sign3A_192 = math.absf %get3A_178 : vector<16xf32>
      %sign3A_193 = arith.constant 0.000000e+00 : f32
      %sign3A_194 = vector.broadcast %sign3A_193 : f32 to vector<16xf32>
      %sign3A_195 = arith.cmpf ogt, %sign3A_192, %sign3A_194 : vector<16xf32>
      %sign3A_196 = arith.select %sign3A_195, %sign3A_191, %get3A_178 : vector<16xi1>, vector<16xf32>
      %sub3A_197 = arith.constant 1.000000e+00 : f32
      %sub3A_198 = vector.broadcast %sub3A_197 : f32 to vector<16xf32>
      %sub3A_199 = arith.subf %sub3A_198, %exp3A_183 : vector<16xf32>
      %mul3A_200 = arith.mulf %sign3A_196, %sub3A_199 : vector<16xf32>
      %add3A_201 = arith.constant 1.000000e+00 : f32
      %add3A_202 = vector.broadcast %add3A_201 : f32 to vector<16xf32>
      %add3A_203 = arith.addf %add3A_202, %exp3A_183 : vector<16xf32>
      %div3A_204 = arith.divf %mul3A_200, %add3A_203 : vector<16xf32>
      %mul3A_205 = arith.constant 1.000000e-01 : f32
      %mul3A_206 = vector.broadcast %mul3A_205 : f32 to vector<16xf32>
      %mul3A_207 = arith.mulf %mul3A_206, %div3A_204 : vector<16xf32>
      %get3A_208 = arith.index_cast %mul3A_58 : i32 to index
      %get3A_209 = tpu.vector_load %arg12[%get3A_208] {strides = array<i32>} : memref<512xf32, #tpu.memory_space<vmem>>, vector<16xf32>,
      %abs3A_210 = math.absf %get3A_209 : vector<16xf32>
      %mul3A_211 = arith.constant -2.000000e+00 : f32
      %mul3A_212 = vector.broadcast %mul3A_211 : f32 to vector<16xf32>
      %mul3A_213 = arith.mulf %mul3A_212, %abs3A_210 : vector<16xf32>
      %exp3A_214 = math.exp %mul3A_213 : vector<16xf32>
      %sign3A_215 = tpu.bitcast %get3A_209 : vector<16xf32> -> vector<16xi32>
      %sign3A_216 = arith.constant -2147483648 : i32
      %sign3A_217 = vector.broadcast %sign3A_216 : i32 to vector<16xi32>
      %sign3A_218 = arith.andi %sign3A_215, %sign3A_217 : vector<16xi32>
      %sign3A_219 = arith.constant 1065353216 : i32
      %sign3A_220 = vector.broadcast %sign3A_219 : i32 to vector<16xi32>
      %sign3A_221 = arith.ori %sign3A_220, %sign3A_218 : vector<16xi32>
      %sign3A_222 = tpu.bitcast %sign3A_221 : vector<16xi32> -> vector<16xf32>
      %sign3A_223 = math.absf %get3A_209 : vector<16xf32>
      %sign3A_224 = arith.constant 0.000000e+00 : f32
      %sign3A_225 = vector.broadcast %sign3A_224 : f32 to vector<16xf32>
      %sign3A_226 = arith.cmpf ogt, %sign3A_223, %sign3A_225 : vector<16xf32>
      %sign3A_227 = arith.select %sign3A_226, %sign3A_222, %get3A_209 : vector<16xi1>, vector<16xf32>
      %sub3A_228 = arith.constant 1.000000e+00 : f32
      %sub3A_229 = vector.broadcast %sub3A_228 : f32 to vector<16xf32>
      %sub3A_230 = arith.subf %sub3A_229, %exp3A_214 : vector<16xf32>
      %mul3A_231 = arith.mulf %sign3A_227, %sub3A_230 : vector<16xf32>
      %add3A_232 = arith.constant 1.000000e+00 : f32
      %add3A_233 = vector.broadcast %add3A_232 : f32 to vector<16xf32>
      %add3A_234 = arith.addf %add3A_233, %exp3A_214 : vector<16xf32>
      %div3A_235 = arith.divf %mul3A_231, %add3A_234 : vector<16xf32>
      %mul3A_236 = arith.constant 1.000000e-01 : f32
      %mul3A_237 = vector.broadcast %mul3A_236 : f32 to vector<16xf32>
      %mul3A_238 = arith.mulf %mul3A_237, %div3A_235 : vector<16xf32>
      %mul3A_239 = arith.mulf %mul3A_83, %mul3A_83 : vector<16xf32>
      %mul3A_240 = arith.mulf %mul3A_114, %mul3A_114 : vector<16xf32>
      %mul3A_241 = arith.mulf %mul3A_145, %mul3A_145 : vector<16xf32>
      %add3A_242 = arith.addf %mul3A_239, %mul3A_240 : vector<16xf32>
      %add3A_243 = arith.addf %add3A_242, %mul3A_241 : vector<16xf32>
      %mul3A_244 = arith.constant -1.98412701E-4 : f32
      %mul3A_245 = vector.broadcast %mul3A_244 : f32 to vector<16xf32>
      %mul3A_246 = arith.mulf %add3A_243, %mul3A_245 : vector<16xf32>
      %add3A_247 = arith.constant 0.00833333377 : f32
      %add3A_248 = vector.broadcast %add3A_247 : f32 to vector<16xf32>
      %add3A_249 = arith.addf %add3A_248, %mul3A_246 : vector<16xf32>
      %mul3A_250 = arith.mulf %add3A_243, %add3A_249 : vector<16xf32>
      %add3A_251 = arith.constant -0.166666672 : f32
      %add3A_252 = vector.broadcast %add3A_251 : f32 to vector<16xf32>
      %add3A_253 = arith.addf %add3A_252, %mul3A_250 : vector<16xf32>
      %mul3A_254 = arith.mulf %add3A_243, %add3A_253 : vector<16xf32>
      %add3A_255 = arith.constant 1.000000e+00 : f32
      %add3A_256 = vector.broadcast %add3A_255 : f32 to vector<16xf32>
      %add3A_257 = arith.addf %add3A_256, %mul3A_254 : vector<16xf32>
      %mul3A_258 = arith.constant -2.48015876E-5 : f32
      %mul3A_259 = vector.broadcast %mul3A_258 : f32 to vector<16xf32>
      %mul3A_260 = arith.mulf %add3A_243, %mul3A_259 : vector<16xf32>
      %add3A_261 = arith.constant 0.00138888892 : f32
      %add3A_262 = vector.broadcast %add3A_261 : f32 to vector<16xf32>
      %add3A_263 = arith.addf %add3A_262, %mul3A_260 : vector<16xf32>
      %mul3A_264 = arith.mulf %add3A_243, %add3A_263 : vector<16xf32>
      %add3A_265 = arith.constant -0.0416666679 : f32
      %add3A_266 = vector.broadcast %add3A_265 : f32 to vector<16xf32>
      %add3A_267 = arith.addf %add3A_266, %mul3A_264 : vector<16xf32>
      %mul3A_268 = arith.mulf %add3A_243, %add3A_267 : vector<16xf32>
      %add3A_269 = arith.constant 5.000000e-01 : f32
      %add3A_270 = vector.broadcast %add3A_269 : f32 to vector<16xf32>
      %add3A_271 = arith.addf %add3A_270, %mul3A_268 : vector<16xf32>
      %mul3A_272 = arith.mulf %add3A_271, %mul3A_83 : vector<16xf32>
      %mul3A_273 = arith.mulf %mul3A_272, %mul3A_114 : vector<16xf32>
      %mul3A_274 = arith.mulf %add3A_271, %mul3A_83 : vector<16xf32>
      %mul3A_275 = arith.mulf %mul3A_274, %mul3A_145 : vector<16xf32>
      %mul3A_276 = arith.mulf %add3A_271, %mul3A_114 : vector<16xf32>
      %mul3A_277 = arith.mulf %mul3A_276, %mul3A_145 : vector<16xf32>
      %mul3A_278 = arith.mulf %add3A_257, %mul3A_83 : vector<16xf32>
      %mul3A_279 = arith.mulf %add3A_257, %mul3A_114 : vector<16xf32>
      %mul3A_280 = arith.mulf %add3A_257, %mul3A_145 : vector<16xf32>
      %add3A_281 = arith.addf %mul3A_240, %mul3A_241 : vector<16xf32>
      %mul3A_282 = arith.mulf %add3A_271, %add3A_281 : vector<16xf32>
      %sub3A_283 = arith.constant 1.000000e+00 : f32
      %sub3A_284 = vector.broadcast %sub3A_283 : f32 to vector<16xf32>
      %sub3A_285 = arith.subf %sub3A_284, %mul3A_282 : vector<16xf32>
      %sub3A_286 = arith.subf %mul3A_273, %mul3A_280 : vector<16xf32>
      %add3A_287 = arith.addf %mul3A_275, %mul3A_279 : vector<16xf32>
      %add3A_288 = arith.addf %mul3A_273, %mul3A_280 : vector<16xf32>
      %add3A_289 = arith.addf %mul3A_239, %mul3A_241 : vector<16xf32>
      %mul3A_290 = arith.mulf %add3A_271, %add3A_289 : vector<16xf32>
      %sub3A_291 = arith.constant 1.000000e+00 : f32
      %sub3A_292 = vector.broadcast %sub3A_291 : f32 to vector<16xf32>
      %sub3A_293 = arith.subf %sub3A_292, %mul3A_290 : vector<16xf32>
      %sub3A_294 = arith.subf %mul3A_277, %mul3A_278 : vector<16xf32>
      %sub3A_295 = arith.subf %mul3A_275, %mul3A_279 : vector<16xf32>
      %add3A_296 = arith.addf %mul3A_277, %mul3A_278 : vector<16xf32>
      %add3A_297 = arith.addf %mul3A_239, %mul3A_240 : vector<16xf32>
      %mul3A_298 = arith.mulf %add3A_271, %add3A_297 : vector<16xf32>
      %sub3A_299 = arith.constant 1.000000e+00 : f32
      %sub3A_300 = vector.broadcast %sub3A_299 : f32 to vector<16xf32>
      %sub3A_301 = arith.subf %sub3A_300, %mul3A_298 : vector<16xf32>
      %swap3A = arith.constant 0 : i32
      %swap3A_302 = arith.index_cast %swap3A : i32 to index
      %swap3A_303 = arith.index_cast %mul3A_58 : i32 to index
      %swap3A_304 = tpu.vector_load %arg13[%swap3A_302, %swap3A_303] {strides = array<i32>} : memref<16x512xf32, #tpu.memory_space<vmem>>, vector<16xf32>,
      tpu.vector_store %arg13[%swap3A_302, %swap3A_303], %sub3A_285 {strides = array<i32>} : memref<16x512xf32, #tpu.memory_space<vmem>>, vector<16xf32>,
      %swap3A_305 = arith.constant 1 : i32
      %swap3A_306 = arith.index_cast %swap3A_305 : i32 to index
      %swap3A_307 = arith.index_cast %mul3A_58 : i32 to index
      %swap3A_308 = tpu.vector_load %arg13[%swap3A_306, %swap3A_307] {strides = array<i32>} : memref<16x512xf32, #tpu.memory_space<vmem>>, vector<16xf32>,
      tpu.vector_store %arg13[%swap3A_306, %swap3A_307], %sub3A_286 {strides = array<i32>} : memref<16x512xf32, #tpu.memory_space<vmem>>, vector<16xf32>,
      %swap3A_309 = arith.constant 2 : i32
      %swap3A_310 = arith.index_cast %swap3A_309 : i32 to index
      %swap3A_311 = arith.index_cast %mul3A_58 : i32 to index
      %swap3A_312 = tpu.vector_load %arg13[%swap3A_310, %swap3A_311] {strides = array<i32>} : memref<16x512xf32, #tpu.memory_space<vmem>>, vector<16xf32>,
      tpu.vector_store %arg13[%swap3A_310, %swap3A_311], %add3A_287 {strides = array<i32>} : memref<16x512xf32, #tpu.memory_space<vmem>>, vector<16xf32>,
      %swap3A_313 = arith.constant 3 : i32
      %swap3A_314 = arith.index_cast %swap3A_313 : i32 to index
      %swap3A_315 = arith.index_cast %mul3A_58 : i32 to index
      %swap3A_316 = tpu.vector_load %arg13[%swap3A_314, %swap3A_315] {strides = array<i32>} : memref<16x512xf32, #tpu.memory_space<vmem>>, vector<16xf32>,
      tpu.vector_store %arg13[%swap3A_314, %swap3A_315], %mul3A_176 {strides = array<i32>} : memref<16x512xf32, #tpu.memory_space<vmem>>, vector<16xf32>,
      %swap3A_317 = arith.constant 4 : i32
      %swap3A_318 = arith.index_cast %swap3A_317 : i32 to index
      %swap3A_319 = arith.index_cast %mul3A_58 : i32 to index
      %swap3A_320 = tpu.vector_load %arg13[%swap3A_318, %swap3A_319] {strides = array<i32>} : memref<16x512xf32, #tpu.memory_space<vmem>>, vector<16xf32>,
      tpu.vector_store %arg13[%swap3A_318, %swap3A_319], %add3A_288 {strides = array<i32>} : memref<16x512xf32, #tpu.memory_space<vmem>>, vector<16xf32>,
      %swap3A_321 = arith.constant 5 : i32
      %swap3A_322 = arith.index_cast %swap3A_321 : i32 to index
      %swap3A_323 = arith.index_cast %mul3A_58 : i32 to index
      %swap3A_324 = tpu.vector_load %arg13[%swap3A_322, %swap3A_323] {strides = array<i32>} : memref<16x512xf32, #tpu.memory_space<vmem>>, vector<16xf32>,
      tpu.vector_store %arg13[%swap3A_322, %swap3A_323], %sub3A_293 {strides = array<i32>} : memref<16x512xf32, #tpu.memory_space<vmem>>, vector<16xf32>,
      %swap3A_325 = arith.constant 6 : i32
      %swap3A_326 = arith.index_cast %swap3A_325 : i32 to index
      %swap3A_327 = arith.index_cast %mul3A_58 : i32 to index
      %swap3A_328 = tpu.vector_load %arg13[%swap3A_326, %swap3A_327] {strides = array<i32>} : memref<16x512xf32, #tpu.memory_space<vmem>>, vector<16xf32>,
      tpu.vector_store %arg13[%swap3A_326, %swap3A_327], %sub3A_294 {strides = array<i32>} : memref<16x512xf32, #tpu.memory_space<vmem>>, vector<16xf32>,
      %swap3A_329 = arith.constant 7 : i32
      %swap3A_330 = arith.index_cast %swap3A_329 : i32 to index
      %swap3A_331 = arith.index_cast %mul3A_58 : i32 to index
      %swap3A_332 = tpu.vector_load %arg13[%swap3A_330, %swap3A_331] {strides = array<i32>} : memref<16x512xf32, #tpu.memory_space<vmem>>, vector<16xf32>,
      tpu.vector_store %arg13[%swap3A_330, %swap3A_331], %mul3A_207 {strides = array<i32>} : memref<16x512xf32, #tpu.memory_space<vmem>>, vector<16xf32>,
      %swap3A_333 = arith.constant 8 : i32
      %swap3A_334 = arith.index_cast %swap3A_333 : i32 to index
      %swap3A_335 = arith.index_cast %mul3A_58 : i32 to index
      %swap3A_336 = tpu.vector_load %arg13[%swap3A_334, %swap3A_335] {strides = array<i32>} : memref<16x512xf32, #tpu.memory_space<vmem>>, vector<16xf32>,
      tpu.vector_store %arg13[%swap3A_334, %swap3A_335], %sub3A_295 {strides = array<i32>} : memref<16x512xf32, #tpu.memory_space<vmem>>, vector<16xf32>,
      %swap3A_337 = arith.constant 9 : i32
      %swap3A_338 = arith.index_cast %swap3A_337 : i32 to index
      %swap3A_339 = arith.index_cast %mul3A_58 : i32 to index
      %swap3A_340 = tpu.vector_load %arg13[%swap3A_338, %swap3A_339] {strides = array<i32>} : memref<16x512xf32, #tpu.memory_space<vmem>>, vector<16xf32>,
      tpu.vector_store %arg13[%swap3A_338, %swap3A_339], %add3A_296 {strides = array<i32>} : memref<16x512xf32, #tpu.memory_space<vmem>>, vector<16xf32>,
      %swap3A_341 = arith.constant 10 : i32
      %swap3A_342 = arith.index_cast %swap3A_341 : i32 to index
      %swap3A_343 = arith.index_cast %mul3A_58 : i32 to index
      %swap3A_344 = tpu.vector_load %arg13[%swap3A_342, %swap3A_343] {strides = array<i32>} : memref<16x512xf32, #tpu.memory_space<vmem>>, vector<16xf32>,
      tpu.vector_store %arg13[%swap3A_342, %swap3A_343], %sub3A_301 {strides = array<i32>} : memref<16x512xf32, #tpu.memory_space<vmem>>, vector<16xf32>,
      %swap3A_345 = arith.constant 11 : i32
      %swap3A_346 = arith.index_cast %swap3A_345 : i32 to index
      %swap3A_347 = arith.index_cast %mul3A_58 : i32 to index
      %swap3A_348 = tpu.vector_load %arg13[%swap3A_346, %swap3A_347] {strides = array<i32>} : memref<16x512xf32, #tpu.memory_space<vmem>>, vector<16xf32>,
      tpu.vector_store %arg13[%swap3A_346, %swap3A_347], %mul3A_238 {strides = array<i32>} : memref<16x512xf32, #tpu.memory_space<vmem>>, vector<16xf32>,
      %swap3A_349 = arith.constant 12 : i32
      %swap3A_350 = arith.index_cast %swap3A_349 : i32 to index
      %swap3A_351 = arith.index_cast %mul3A_58 : i32 to index
      %swap3A_352 = tpu.vector_load %arg13[%swap3A_350, %swap3A_351] {strides = array<i32>} : memref<16x512xf32, #tpu.memory_space<vmem>>, vector<16xf32>,
      tpu.vector_store %arg13[%swap3A_350, %swap3A_351], %broadcast_in_dim3A_26 {strides = array<i32>} : memref<16x512xf32, #tpu.memory_space<vmem>>, vector<16xf32>,
      %swap3A_353 = arith.constant 13 : i32
      %swap3A_354 = arith.index_cast %swap3A_353 : i32 to index
      %swap3A_355 = arith.index_cast %mul3A_58 : i32 to index
      %swap3A_356 = tpu.vector_load %arg13[%swap3A_354, %swap3A_355] {strides = array<i32>} : memref<16x512xf32, #tpu.memory_space<vmem>>, vector<16xf32>,
      tpu.vector_store %arg13[%swap3A_354, %swap3A_355], %broadcast_in_dim3A_26 {strides = array<i32>} : memref<16x512xf32, #tpu.memory_space<vmem>>, vector<16xf32>,
      %swap3A_357 = arith.constant 14 : i32
      %swap3A_358 = arith.index_cast %swap3A_357 : i32 to index
      %swap3A_359 = arith.index_cast %mul3A_58 : i32 to index
      %swap3A_360 = tpu.vector_load %arg13[%swap3A_358, %swap3A_359] {strides = array<i32>} : memref<16x512xf32, #tpu.memory_space<vmem>>, vector<16xf32>,
      tpu.vector_store %arg13[%swap3A_358, %swap3A_359], %broadcast_in_dim3A_26 {strides = array<i32>} : memref<16x512xf32, #tpu.memory_space<vmem>>, vector<16xf32>,
      %swap3A_361 = arith.constant 15 : i32
      %swap3A_362 = arith.index_cast %swap3A_361 : i32 to index
      %swap3A_363 = arith.index_cast %mul3A_58 : i32 to index
      %swap3A_364 = tpu.vector_load %arg13[%swap3A_362, %swap3A_363] {strides = array<i32>} : memref<16x512xf32, #tpu.memory_space<vmem>>, vector<16xf32>,
      tpu.vector_store %arg13[%swap3A_362, %swap3A_363], %broadcast_in_dim3A_28 {strides = array<i32>} : memref<16x512xf32, #tpu.memory_space<vmem>>, vector<16xf32>,
      %scan3A_365 = arith.constant 1 : i32
      %scan3A_366 = arith.addi %scan3A_56, %scan3A_365 : i32
      %mul3A_367 = arith.constant 16 : i32
      %mul3A_368 = arith.muli %scan3A_366, %mul3A_367 : i32
      %get3A_369 = arith.index_cast %mul3A_368 : i32 to index
      %get3A_370 = tpu.vector_load %arg7[%get3A_369] {strides = array<i32>} : memref<512xf32, #tpu.memory_space<vmem>>, vector<16xf32>,
      %abs3A_371 = math.absf %get3A_370 : vector<16xf32>
      %mul3A_372 = arith.constant -2.000000e+00 : f32
      %mul3A_373 = vector.broadcast %mul3A_372 : f32 to vector<16xf32>
      %mul3A_374 = arith.mulf %mul3A_373, %abs3A_371 : vector<16xf32>
      %exp3A_375 = math.exp %mul3A_374 : vector<16xf32>
      %sign3A_376 = tpu.bitcast %get3A_370 : vector<16xf32> -> vector<16xi32>
      %sign3A_377 = arith.constant -2147483648 : i32
      %sign3A_378 = vector.broadcast %sign3A_377 : i32 to vector<16xi32>
      %sign3A_379 = arith.andi %sign3A_376, %sign3A_378 : vector<16xi32>
      %sign3A_380 = arith.constant 1065353216 : i32
      %sign3A_381 = vector.broadcast %sign3A_380 : i32 to vector<16xi32>
      %sign3A_382 = arith.ori %sign3A_381, %sign3A_379 : vector<16xi32>
      %sign3A_383 = tpu.bitcast %sign3A_382 : vector<16xi32> -> vector<16xf32>
      %sign3A_384 = math.absf %get3A_370 : vector<16xf32>
      %sign3A_385 = arith.constant 0.000000e+00 : f32
      %sign3A_386 = vector.broadcast %sign3A_385 : f32 to vector<16xf32>
      %sign3A_387 = arith.cmpf ogt, %sign3A_384, %sign3A_386 : vector<16xf32>
      %sign3A_388 = arith.select %sign3A_387, %sign3A_383, %get3A_370 : vector<16xi1>, vector<16xf32>
      %sub3A_389 = arith.constant 1.000000e+00 : f32
      %sub3A_390 = vector.broadcast %sub3A_389 : f32 to vector<16xf32>
      %sub3A_391 = arith.subf %sub3A_390, %exp3A_375 : vector<16xf32>
      %mul3A_392 = arith.mulf %sign3A_388, %sub3A_391 : vector<16xf32>
      %add3A_393 = arith.constant 1.000000e+00 : f32
      %add3A_394 = vector.broadcast %add3A_393 : f32 to vector<16xf32>
      %add3A_395 = arith.addf %add3A_394, %exp3A_375 : vector<16xf32>
      %div3A_396 = arith.divf %mul3A_392, %add3A_395 : vector<16xf32>
      %mul3A_397 = arith.constant 0.0872664601 : f32
      %mul3A_398 = vector.broadcast %mul3A_397 : f32 to vector<16xf32>
      %mul3A_399 = arith.mulf %mul3A_398, %div3A_396 : vector<16xf32>
      %get3A_400 = arith.index_cast %mul3A_368 : i32 to index
      %get3A_401 = tpu.vector_load %arg8[%get3A_400] {strides = array<i32>} : memref<512xf32, #tpu.memory_space<vmem>>, vector<16xf32>,
      %abs3A_402 = math.absf %get3A_401 : vector<16xf32>
      %mul3A_403 = arith.constant -2.000000e+00 : f32
      %mul3A_404 = vector.broadcast %mul3A_403 : f32 to vector<16xf32>
      %mul3A_405 = arith.mulf %mul3A_404, %abs3A_402 : vector<16xf32>
      %exp3A_406 = math.exp %mul3A_405 : vector<16xf32>
      %sign3A_407 = tpu.bitcast %get3A_401 : vector<16xf32> -> vector<16xi32>
      %sign3A_408 = arith.constant -2147483648 : i32
      %sign3A_409 = vector.broadcast %sign3A_408 : i32 to vector<16xi32>
      %sign3A_410 = arith.andi %sign3A_407, %sign3A_409 : vector<16xi32>
      %sign3A_411 = arith.constant 1065353216 : i32
      %sign3A_412 = vector.broadcast %sign3A_411 : i32 to vector<16xi32>
      %sign3A_413 = arith.ori %sign3A_412, %sign3A_410 : vector<16xi32>
      %sign3A_414 = tpu.bitcast %sign3A_413 : vector<16xi32> -> vector<16xf32>
      %sign3A_415 = math.absf %get3A_401 : vector<16xf32>
      %sign3A_416 = arith.constant 0.000000e+00 : f32
      %sign3A_417 = vector.broadcast %sign3A_416 : f32 to vector<16xf32>
      %sign3A_418 = arith.cmpf ogt, %sign3A_415, %sign3A_417 : vector<16xf32>
      %sign3A_419 = arith.select %sign3A_418, %sign3A_414, %get3A_401 : vector<16xi1>, vector<16xf32>
      %sub3A_420 = arith.constant 1.000000e+00 : f32
      %sub3A_421 = vector.broadcast %sub3A_420 : f32 to vector<16xf32>
      %sub3A_422 = arith.subf %sub3A_421, %exp3A_406 : vector<16xf32>
      %mul3A_423 = arith.mulf %sign3A_419, %sub3A_422 : vector<16xf32>
      %add3A_424 = arith.constant 1.000000e+00 : f32
      %add3A_425 = vector.broadcast %add3A_424 : f32 to vector<16xf32>
      %add3A_426 = arith.addf %add3A_425, %exp3A_406 : vector<16xf32>
      %div3A_427 = arith.divf %mul3A_423, %add3A_426 : vector<16xf32>
      %mul3A_428 = arith.constant 0.0872664601 : f32
      %mul3A_429 = vector.broadcast %mul3A_428 : f32 to vector<16xf32>
      %mul3A_430 = arith.mulf %mul3A_429, %div3A_427 : vector<16xf32>
      %get3A_431 = arith.index_cast %mul3A_368 : i32 to index
      %get3A_432 = tpu.vector_load %arg9[%get3A_431] {strides = array<i32>} : memref<512xf32, #tpu.memory_space<vmem>>, vector<16xf32>,
      %abs3A_433 = math.absf %get3A_432 : vector<16xf32>
      %mul3A_434 = arith.constant -2.000000e+00 : f32
      %mul3A_435 = vector.broadcast %mul3A_434 : f32 to vector<16xf32>
      %mul3A_436 = arith.mulf %mul3A_435, %abs3A_433 : vector<16xf32>
      %exp3A_437 = math.exp %mul3A_436 : vector<16xf32>
      %sign3A_438 = tpu.bitcast %get3A_432 : vector<16xf32> -> vector<16xi32>
      %sign3A_439 = arith.constant -2147483648 : i32
      %sign3A_440 = vector.broadcast %sign3A_439 : i32 to vector<16xi32>
      %sign3A_441 = arith.andi %sign3A_438, %sign3A_440 : vector<16xi32>
      %sign3A_442 = arith.constant 1065353216 : i32
      %sign3A_443 = vector.broadcast %sign3A_442 : i32 to vector<16xi32>
      %sign3A_444 = arith.ori %sign3A_443, %sign3A_441 : vector<16xi32>
      %sign3A_445 = tpu.bitcast %sign3A_444 : vector<16xi32> -> vector<16xf32>
      %sign3A_446 = math.absf %get3A_432 : vector<16xf32>
      %sign3A_447 = arith.constant 0.000000e+00 : f32
      %sign3A_448 = vector.broadcast %sign3A_447 : f32 to vector<16xf32>
      %sign3A_449 = arith.cmpf ogt, %sign3A_446, %sign3A_448 : vector<16xf32>
      %sign3A_450 = arith.select %sign3A_449, %sign3A_445, %get3A_432 : vector<16xi1>, vector<16xf32>
      %sub3A_451 = arith.constant 1.000000e+00 : f32
      %sub3A_452 = vector.broadcast %sub3A_451 : f32 to vector<16xf32>
      %sub3A_453 = arith.subf %sub3A_452, %exp3A_437 : vector<16xf32>
      %mul3A_454 = arith.mulf %sign3A_450, %sub3A_453 : vector<16xf32>
      %add3A_455 = arith.constant 1.000000e+00 : f32
      %add3A_456 = vector.broadcast %add3A_455 : f32 to vector<16xf32>
      %add3A_457 = arith.addf %add3A_456, %exp3A_437 : vector<16xf32>
      %div3A_458 = arith.divf %mul3A_454, %add3A_457 : vector<16xf32>
      %mul3A_459 = arith.constant 0.0872664601 : f32
      %mul3A_460 = vector.broadcast %mul3A_459 : f32 to vector<16xf32>
      %mul3A_461 = arith.mulf %mul3A_460, %div3A_458 : vector<16xf32>
      %get3A_462 = arith.index_cast %mul3A_368 : i32 to index
      %get3A_463 = tpu.vector_load %arg10[%get3A_462] {strides = array<i32>} : memref<512xf32, #tpu.memory_space<vmem>>, vector<16xf32>,
      %abs3A_464 = math.absf %get3A_463 : vector<16xf32>
      %mul3A_465 = arith.constant -2.000000e+00 : f32
      %mul3A_466 = vector.broadcast %mul3A_465 : f32 to vector<16xf32>
      %mul3A_467 = arith.mulf %mul3A_466, %abs3A_464 : vector<16xf32>
      %exp3A_468 = math.exp %mul3A_467 : vector<16xf32>
      %sign3A_469 = tpu.bitcast %get3A_463 : vector<16xf32> -> vector<16xi32>
      %sign3A_470 = arith.constant -2147483648 : i32
      %sign3A_471 = vector.broadcast %sign3A_470 : i32 to vector<16xi32>
      %sign3A_472 = arith.andi %sign3A_469, %sign3A_471 : vector<16xi32>
      %sign3A_473 = arith.constant 1065353216 : i32
      %sign3A_474 = vector.broadcast %sign3A_473 : i32 to vector<16xi32>
      %sign3A_475 = arith.ori %sign3A_474, %sign3A_472 : vector<16xi32>
      %sign3A_476 = tpu.bitcast %sign3A_475 : vector<16xi32> -> vector<16xf32>
      %sign3A_477 = math.absf %get3A_463 : vector<16xf32>
      %sign3A_478 = arith.constant 0.000000e+00 : f32
      %sign3A_479 = vector.broadcast %sign3A_478 : f32 to vector<16xf32>
      %sign3A_480 = arith.cmpf ogt, %sign3A_477, %sign3A_479 : vector<16xf32>
      %sign3A_481 = arith.select %sign3A_480, %sign3A_476, %get3A_463 : vector<16xi1>, vector<16xf32>
      %sub3A_482 = arith.constant 1.000000e+00 : f32
      %sub3A_483 = vector.broadcast %sub3A_482 : f32 to vector<16xf32>
      %sub3A_484 = arith.subf %sub3A_483, %exp3A_468 : vector<16xf32>
      %mul3A_485 = arith.mulf %sign3A_481, %sub3A_484 : vector<16xf32>
      %add3A_486 = arith.constant 1.000000e+00 : f32
      %add3A_487 = vector.broadcast %add3A_486 : f32 to vector<16xf32>
      %add3A_488 = arith.addf %add3A_487, %exp3A_468 : vector<16xf32>
      %div3A_489 = arith.divf %mul3A_485, %add3A_488 : vector<16xf32>
      %mul3A_490 = arith.constant 1.000000e-01 : f32
      %mul3A_491 = vector.broadcast %mul3A_490 : f32 to vector<16xf32>
      %mul3A_492 = arith.mulf %mul3A_491, %div3A_489 : vector<16xf32>
      %get3A_493 = arith.index_cast %mul3A_368 : i32 to index
      %get3A_494 = tpu.vector_load %arg11[%get3A_493] {strides = array<i32>} : memref<512xf32, #tpu.memory_space<vmem>>, vector<16xf32>,
      %abs3A_495 = math.absf %get3A_494 : vector<16xf32>
      %mul3A_496 = arith.constant -2.000000e+00 : f32
      %mul3A_497 = vector.broadcast %mul3A_496 : f32 to vector<16xf32>
      %mul3A_498 = arith.mulf %mul3A_497, %abs3A_495 : vector<16xf32>
      %exp3A_499 = math.exp %mul3A_498 : vector<16xf32>
      %sign3A_500 = tpu.bitcast %get3A_494 : vector<16xf32> -> vector<16xi32>
      %sign3A_501 = arith.constant -2147483648 : i32
      %sign3A_502 = vector.broadcast %sign3A_501 : i32 to vector<16xi32>
      %sign3A_503 = arith.andi %sign3A_500, %sign3A_502 : vector<16xi32>
      %sign3A_504 = arith.constant 1065353216 : i32
      %sign3A_505 = vector.broadcast %sign3A_504 : i32 to vector<16xi32>
      %sign3A_506 = arith.ori %sign3A_505, %sign3A_503 : vector<16xi32>
      %sign3A_507 = tpu.bitcast %sign3A_506 : vector<16xi32> -> vector<16xf32>
      %sign3A_508 = math.absf %get3A_494 : vector<16xf32>
      %sign3A_509 = arith.constant 0.000000e+00 : f32
      %sign3A_510 = vector.broadcast %sign3A_509 : f32 to vector<16xf32>
      %sign3A_511 = arith.cmpf ogt, %sign3A_508, %sign3A_510 : vector<16xf32>
      %sign3A_512 = arith.select %sign3A_511, %sign3A_507, %get3A_494 : vector<16xi1>, vector<16xf32>
      %sub3A_513 = arith.constant 1.000000e+00 : f32
      %sub3A_514 = vector.broadcast %sub3A_513 : f32 to vector<16xf32>
      %sub3A_515 = arith.subf %sub3A_514, %exp3A_499 : vector<16xf32>
      %mul3A_516 = arith.mulf %sign3A_512, %sub3A_515 : vector<16xf32>
      %add3A_517 = arith.constant 1.000000e+00 : f32
      %add3A_518 = vector.broadcast %add3A_517 : f32 to vector<16xf32>
      %add3A_519 = arith.addf %add3A_518, %exp3A_499 : vector<16xf32>
      %div3A_520 = arith.divf %mul3A_516, %add3A_519 : vector<16xf32>
      %mul3A_521 = arith.constant 1.000000e-01 : f32
      %mul3A_522 = vector.broadcast %mul3A_521 : f32 to vector<16xf32>
      %mul3A_523 = arith.mulf %mul3A_522, %div3A_520 : vector<16xf32>
      %get3A_524 = arith.index_cast %mul3A_368 : i32 to index
      %get3A_525 = tpu.vector_load %arg12[%get3A_524] {strides = array<i32>} : memref<512xf32, #tpu.memory_space<vmem>>, vector<16xf32>,
      %abs3A_526 = math.absf %get3A_525 : vector<16xf32>
      %mul3A_527 = arith.constant -2.000000e+00 : f32
      %mul3A_528 = vector.broadcast %mul3A_527 : f32 to vector<16xf32>
      %mul3A_529 = arith.mulf %mul3A_528, %abs3A_526 : vector<16xf32>
      %exp3A_530 = math.exp %mul3A_529 : vector<16xf32>
      %sign3A_531 = tpu.bitcast %get3A_525 : vector<16xf32> -> vector<16xi32>
      %sign3A_532 = arith.constant -2147483648 : i32
      %sign3A_533 = vector.broadcast %sign3A_532 : i32 to vector<16xi32>
      %sign3A_534 = arith.andi %sign3A_531, %sign3A_533 : vector<16xi32>
      %sign3A_535 = arith.constant 1065353216 : i32
      %sign3A_536 = vector.broadcast %sign3A_535 : i32 to vector<16xi32>
      %sign3A_537 = arith.ori %sign3A_536, %sign3A_534 : vector<16xi32>
      %sign3A_538 = tpu.bitcast %sign3A_537 : vector<16xi32> -> vector<16xf32>
      %sign3A_539 = math.absf %get3A_525 : vector<16xf32>
      %sign3A_540 = arith.constant 0.000000e+00 : f32
      %sign3A_541 = vector.broadcast %sign3A_540 : f32 to vector<16xf32>
      %sign3A_542 = arith.cmpf ogt, %sign3A_539, %sign3A_541 : vector<16xf32>
      %sign3A_543 = arith.select %sign3A_542, %sign3A_538, %get3A_525 : vector<16xi1>, vector<16xf32>
      %sub3A_544 = arith.constant 1.000000e+00 : f32
      %sub3A_545 = vector.broadcast %sub3A_544 : f32 to vector<16xf32>
      %sub3A_546 = arith.subf %sub3A_545, %exp3A_530 : vector<16xf32>
      %mul3A_547 = arith.mulf %sign3A_543, %sub3A_546 : vector<16xf32>
      %add3A_548 = arith.constant 1.000000e+00 : f32
      %add3A_549 = vector.broadcast %add3A_548 : f32 to vector<16xf32>
      %add3A_550 = arith.addf %add3A_549, %exp3A_530 : vector<16xf32>
      %div3A_551 = arith.divf %mul3A_547, %add3A_550 : vector<16xf32>
      %mul3A_552 = arith.constant 1.000000e-01 : f32
      %mul3A_553 = vector.broadcast %mul3A_552 : f32 to vector<16xf32>
      %mul3A_554 = arith.mulf %mul3A_553, %div3A_551 : vector<16xf32>
      %mul3A_555 = arith.mulf %mul3A_399, %mul3A_399 : vector<16xf32>
      %mul3A_556 = arith.mulf %mul3A_430, %mul3A_430 : vector<16xf32>
      %mul3A_557 = arith.mulf %mul3A_461, %mul3A_461 : vector<16xf32>
      %add3A_558 = arith.addf %mul3A_555, %mul3A_556 : vector<16xf32>
      %add3A_559 = arith.addf %add3A_558, %mul3A_557 : vector<16xf32>
      %mul3A_560 = arith.constant -1.98412701E-4 : f32
      %mul3A_561 = vector.broadcast %mul3A_560 : f32 to vector<16xf32>
      %mul3A_562 = arith.mulf %add3A_559, %mul3A_561 : vector<16xf32>
      %add3A_563 = arith.constant 0.00833333377 : f32
      %add3A_564 = vector.broadcast %add3A_563 : f32 to vector<16xf32>
      %add3A_565 = arith.addf %add3A_564, %mul3A_562 : vector<16xf32>
      %mul3A_566 = arith.mulf %add3A_559, %add3A_565 : vector<16xf32>
      %add3A_567 = arith.constant -0.166666672 : f32
      %add3A_568 = vector.broadcast %add3A_567 : f32 to vector<16xf32>
      %add3A_569 = arith.addf %add3A_568, %mul3A_566 : vector<16xf32>
      %mul3A_570 = arith.mulf %add3A_559, %add3A_569 : vector<16xf32>
      %add3A_571 = arith.constant 1.000000e+00 : f32
      %add3A_572 = vector.broadcast %add3A_571 : f32 to vector<16xf32>
      %add3A_573 = arith.addf %add3A_572, %mul3A_570 : vector<16xf32>
      %mul3A_574 = arith.constant -2.48015876E-5 : f32
      %mul3A_575 = vector.broadcast %mul3A_574 : f32 to vector<16xf32>
      %mul3A_576 = arith.mulf %add3A_559, %mul3A_575 : vector<16xf32>
      %add3A_577 = arith.constant 0.00138888892 : f32
      %add3A_578 = vector.broadcast %add3A_577 : f32 to vector<16xf32>
      %add3A_579 = arith.addf %add3A_578, %mul3A_576 : vector<16xf32>
      %mul3A_580 = arith.mulf %add3A_559, %add3A_579 : vector<16xf32>
      %add3A_581 = arith.constant -0.0416666679 : f32
      %add3A_582 = vector.broadcast %add3A_581 : f32 to vector<16xf32>
      %add3A_583 = arith.addf %add3A_582, %mul3A_580 : vector<16xf32>
      %mul3A_584 = arith.mulf %add3A_559, %add3A_583 : vector<16xf32>
      %add3A_585 = arith.constant 5.000000e-01 : f32
      %add3A_586 = vector.broadcast %add3A_585 : f32 to vector<16xf32>
      %add3A_587 = arith.addf %add3A_586, %mul3A_584 : vector<16xf32>
      %mul3A_588 = arith.mulf %add3A_587, %mul3A_399 : vector<16xf32>
      %mul3A_589 = arith.mulf %mul3A_588, %mul3A_430 : vector<16xf32>
      %mul3A_590 = arith.mulf %add3A_587, %mul3A_399 : vector<16xf32>
      %mul3A_591 = arith.mulf %mul3A_590, %mul3A_461 : vector<16xf32>
      %mul3A_592 = arith.mulf %add3A_587, %mul3A_430 : vector<16xf32>
      %mul3A_593 = arith.mulf %mul3A_592, %mul3A_461 : vector<16xf32>
      %mul3A_594 = arith.mulf %add3A_573, %mul3A_399 : vector<16xf32>
      %mul3A_595 = arith.mulf %add3A_573, %mul3A_430 : vector<16xf32>
      %mul3A_596 = arith.mulf %add3A_573, %mul3A_461 : vector<16xf32>
      %add3A_597 = arith.addf %mul3A_556, %mul3A_557 : vector<16xf32>
      %mul3A_598 = arith.mulf %add3A_587, %add3A_597 : vector<16xf32>
      %sub3A_599 = arith.constant 1.000000e+00 : f32
      %sub3A_600 = vector.broadcast %sub3A_599 : f32 to vector<16xf32>
      %sub3A_601 = arith.subf %sub3A_600, %mul3A_598 : vector<16xf32>
      %sub3A_602 = arith.subf %mul3A_589, %mul3A_596 : vector<16xf32>
      %add3A_603 = arith.addf %mul3A_591, %mul3A_595 : vector<16xf32>
      %add3A_604 = arith.addf %mul3A_589, %mul3A_596 : vector<16xf32>
      %add3A_605 = arith.addf %mul3A_555, %mul3A_557 : vector<16xf32>
      %mul3A_606 = arith.mulf %add3A_587, %add3A_605 : vector<16xf32>
      %sub3A_607 = arith.constant 1.000000e+00 : f32
      %sub3A_608 = vector.broadcast %sub3A_607 : f32 to vector<16xf32>
      %sub3A_609 = arith.subf %sub3A_608, %mul3A_606 : vector<16xf32>
      %sub3A_610 = arith.subf %mul3A_593, %mul3A_594 : vector<16xf32>
      %sub3A_611 = arith.subf %mul3A_591, %mul3A_595 : vector<16xf32>
      %add3A_612 = arith.addf %mul3A_593, %mul3A_594 : vector<16xf32>
      %add3A_613 = arith.addf %mul3A_555, %mul3A_556 : vector<16xf32>
      %mul3A_614 = arith.mulf %add3A_587, %add3A_613 : vector<16xf32>
      %sub3A_615 = arith.constant 1.000000e+00 : f32
      %sub3A_616 = vector.broadcast %sub3A_615 : f32 to vector<16xf32>
      %sub3A_617 = arith.subf %sub3A_616, %mul3A_614 : vector<16xf32>
      %swap3A_618 = arith.constant 0 : i32
      %swap3A_619 = arith.index_cast %swap3A_618 : i32 to index
      %swap3A_620 = arith.index_cast %mul3A_368 : i32 to index
      %swap3A_621 = tpu.vector_load %arg13[%swap3A_619, %swap3A_620] {strides = array<i32>} : memref<16x512xf32, #tpu.memory_space<vmem>>, vector<16xf32>,
      tpu.vector_store %arg13[%swap3A_619, %swap3A_620], %sub3A_601 {strides = array<i32>} : memref<16x512xf32, #tpu.memory_space<vmem>>, vector<16xf32>,
      %swap3A_622 = arith.constant 1 : i32
      %swap3A_623 = arith.index_cast %swap3A_622 : i32 to index
      %swap3A_624 = arith.index_cast %mul3A_368 : i32 to index
      %swap3A_625 = tpu.vector_load %arg13[%swap3A_623, %swap3A_624] {strides = array<i32>} : memref<16x512xf32, #tpu.memory_space<vmem>>, vector<16xf32>,
      tpu.vector_store %arg13[%swap3A_623, %swap3A_624], %sub3A_602 {strides = array<i32>} : memref<16x512xf32, #tpu.memory_space<vmem>>, vector<16xf32>,
      %swap3A_626 = arith.constant 2 : i32
      %swap3A_627 = arith.index_cast %swap3A_626 : i32 to index
      %swap3A_628 = arith.index_cast %mul3A_368 : i32 to index
      %swap3A_629 = tpu.vector_load %arg13[%swap3A_627, %swap3A_628] {strides = array<i32>} : memref<16x512xf32, #tpu.memory_space<vmem>>, vector<16xf32>,
      tpu.vector_store %arg13[%swap3A_627, %swap3A_628], %add3A_603 {strides = array<i32>} : memref<16x512xf32, #tpu.memory_space<vmem>>, vector<16xf32>,
      %swap3A_630 = arith.constant 3 : i32
      %swap3A_631 = arith.index_cast %swap3A_630 : i32 to index
      %swap3A_632 = arith.index_cast %mul3A_368 : i32 to index
      %swap3A_633 = tpu.vector_load %arg13[%swap3A_631, %swap3A_632] {strides = array<i32>} : memref<16x512xf32, #tpu.memory_space<vmem>>, vector<16xf32>,
      tpu.vector_store %arg13[%swap3A_631, %swap3A_632], %mul3A_492 {strides = array<i32>} : memref<16x512xf32, #tpu.memory_space<vmem>>, vector<16xf32>,
      %swap3A_634 = arith.constant 4 : i32
      %swap3A_635 = arith.index_cast %swap3A_634 : i32 to index
      %swap3A_636 = arith.index_cast %mul3A_368 : i32 to index
      %swap3A_637 = tpu.vector_load %arg13[%swap3A_635, %swap3A_636] {strides = array<i32>} : memref<16x512xf32, #tpu.memory_space<vmem>>, vector<16xf32>,
      tpu.vector_store %arg13[%swap3A_635, %swap3A_636], %add3A_604 {strides = array<i32>} : memref<16x512xf32, #tpu.memory_space<vmem>>, vector<16xf32>,
      %swap3A_638 = arith.constant 5 : i32
      %swap3A_639 = arith.index_cast %swap3A_638 : i32 to index
      %swap3A_640 = arith.index_cast %mul3A_368 : i32 to index
      %swap3A_641 = tpu.vector_load %arg13[%swap3A_639, %swap3A_640] {strides = array<i32>} : memref<16x512xf32, #tpu.memory_space<vmem>>, vector<16xf32>,
      tpu.vector_store %arg13[%swap3A_639, %swap3A_640], %sub3A_609 {strides = array<i32>} : memref<16x512xf32, #tpu.memory_space<vmem>>, vector<16xf32>,
      %swap3A_642 = arith.constant 6 : i32
      %swap3A_643 = arith.index_cast %swap3A_642 : i32 to index
      %swap3A_644 = arith.index_cast %mul3A_368 : i32 to index
      %swap3A_645 = tpu.vector_load %arg13[%swap3A_643, %swap3A_644] {strides = array<i32>} : memref<16x512xf32, #tpu.memory_space<vmem>>, vector<16xf32>,
      tpu.vector_store %arg13[%swap3A_643, %swap3A_644], %sub3A_610 {strides = array<i32>} : memref<16x512xf32, #tpu.memory_space<vmem>>, vector<16xf32>,
      %swap3A_646 = arith.constant 7 : i32
      %swap3A_647 = arith.index_cast %swap3A_646 : i32 to index
      %swap3A_648 = arith.index_cast %mul3A_368 : i32 to index
      %swap3A_649 = tpu.vector_load %arg13[%swap3A_647, %swap3A_648] {strides = array<i32>} : memref<16x512xf32, #tpu.memory_space<vmem>>, vector<16xf32>,
      tpu.vector_store %arg13[%swap3A_647, %swap3A_648], %mul3A_523 {strides = array<i32>} : memref<16x512xf32, #tpu.memory_space<vmem>>, vector<16xf32>,
      %swap3A_650 = arith.constant 8 : i32
      %swap3A_651 = arith.index_cast %swap3A_650 : i32 to index
      %swap3A_652 = arith.index_cast %mul3A_368 : i32 to index
      %swap3A_653 = tpu.vector_load %arg13[%swap3A_651, %swap3A_652] {strides = array<i32>} : memref<16x512xf32, #tpu.memory_space<vmem>>, vector<16xf32>,
      tpu.vector_store %arg13[%swap3A_651, %swap3A_652], %sub3A_611 {strides = array<i32>} : memref<16x512xf32, #tpu.memory_space<vmem>>, vector<16xf32>,
      %swap3A_654 = arith.constant 9 : i32
      %swap3A_655 = arith.index_cast %swap3A_654 : i32 to index
      %swap3A_656 = arith.index_cast %mul3A_368 : i32 to index
      %swap3A_657 = tpu.vector_load %arg13[%swap3A_655, %swap3A_656] {strides = array<i32>} : memref<16x512xf32, #tpu.memory_space<vmem>>, vector<16xf32>,
      tpu.vector_store %arg13[%swap3A_655, %swap3A_656], %add3A_612 {strides = array<i32>} : memref<16x512xf32, #tpu.memory_space<vmem>>, vector<16xf32>,
      %swap3A_658 = arith.constant 10 : i32
      %swap3A_659 = arith.index_cast %swap3A_658 : i32 to index
      %swap3A_660 = arith.index_cast %mul3A_368 : i32 to index
      %swap3A_661 = tpu.vector_load %arg13[%swap3A_659, %swap3A_660] {strides = array<i32>} : memref<16x512xf32, #tpu.memory_space<vmem>>, vector<16xf32>,
      tpu.vector_store %arg13[%swap3A_659, %swap3A_660], %sub3A_617 {strides = array<i32>} : memref<16x512xf32, #tpu.memory_space<vmem>>, vector<16xf32>,
      %swap3A_662 = arith.constant 11 : i32
      %swap3A_663 = arith.index_cast %swap3A_662 : i32 to index
      %swap3A_664 = arith.index_cast %mul3A_368 : i32 to index
      %swap3A_665 = tpu.vector_load %arg13[%swap3A_663, %swap3A_664] {strides = array<i32>} : memref<16x512xf32, #tpu.memory_space<vmem>>, vector<16xf32>,
      tpu.vector_store %arg13[%swap3A_663, %swap3A_664], %mul3A_554 {strides = array<i32>} : memref<16x512xf32, #tpu.memory_space<vmem>>, vector<16xf32>,
      %swap3A_666 = arith.constant 12 : i32
      %swap3A_667 = arith.index_cast %swap3A_666 : i32 to index
      %swap3A_668 = arith.index_cast %mul3A_368 : i32 to index
      %swap3A_669 = tpu.vector_load %arg13[%swap3A_667, %swap3A_668] {strides = array<i32>} : memref<16x512xf32, #tpu.memory_space<vmem>>, vector<16xf32>,
      tpu.vector_store %arg13[%swap3A_667, %swap3A_668], %broadcast_in_dim3A_26 {strides = array<i32>} : memref<16x512xf32, #tpu.memory_space<vmem>>, vector<16xf32>,
      %swap3A_670 = arith.constant 13 : i32
      %swap3A_671 = arith.index_cast %swap3A_670 : i32 to index
      %swap3A_672 = arith.index_cast %mul3A_368 : i32 to index
      %swap3A_673 = tpu.vector_load %arg13[%swap3A_671, %swap3A_672] {strides = array<i32>} : memref<16x512xf32, #tpu.memory_space<vmem>>, vector<16xf32>,
      tpu.vector_store %arg13[%swap3A_671, %swap3A_672], %broadcast_in_dim3A_26 {strides = array<i32>} : memref<16x512xf32, #tpu.memory_space<vmem>>, vector<16xf32>,
      %swap3A_674 = arith.constant 14 : i32
      %swap3A_675 = arith.index_cast %swap3A_674 : i32 to index
      %swap3A_676 = arith.index_cast %mul3A_368 : i32 to index
      %swap3A_677 = tpu.vector_load %arg13[%swap3A_675, %swap3A_676] {strides = array<i32>} : memref<16x512xf32, #tpu.memory_space<vmem>>, vector<16xf32>,
      tpu.vector_store %arg13[%swap3A_675, %swap3A_676], %broadcast_in_dim3A_26 {strides = array<i32>} : memref<16x512xf32, #tpu.memory_space<vmem>>, vector<16xf32>,
      %swap3A_678 = arith.constant 15 : i32
      %swap3A_679 = arith.index_cast %swap3A_678 : i32 to index
      %swap3A_680 = arith.index_cast %mul3A_368 : i32 to index
      %swap3A_681 = tpu.vector_load %arg13[%swap3A_679, %swap3A_680] {strides = array<i32>} : memref<16x512xf32, #tpu.memory_space<vmem>>, vector<16xf32>,
      tpu.vector_store %arg13[%swap3A_679, %swap3A_680], %broadcast_in_dim3A_28 {strides = array<i32>} : memref<16x512xf32, #tpu.memory_space<vmem>>, vector<16xf32>,
    }
    %scan3A_55 = arith.constant 32 : i32
    "tpu.region"() ({
      %run_scoped3A = tpu.sem_alloc : memref<!tpu.dma_semaphore, #tpu.memory_space<semaphore_mem>>
      %dma_start3A_56 = arith.constant 0 : i32
      %dma_start3A_57 = tpu.memref_slice %arg5[%dma_start3A_56, %mul3A_2] : memref<16x16384xf32, #tpu.memory_space<hbm>> -> memref<16x512xf32, #tpu.memory_space<hbm>>
      %dma_start3A_58 = arith.constant 0 : i32
      %dma_start3A_59 = tpu.memref_slice %arg5[%dma_start3A_58, %mul3A_2] : memref<16x16384xf32, #tpu.memory_space<hbm>> -> memref<16x512xf32, #tpu.memory_space<hbm>>
      tpu.enqueue_dma source(%arg13 : memref<16x512xf32, #tpu.memory_space<vmem>>) target(%dma_start3A_59 : memref<16x512xf32, #tpu.memory_space<hbm>>) target_semaphore(%run_scoped3A : memref<!tpu.dma_semaphore, #tpu.memory_space<semaphore_mem>>)
      %dma_wait3A_60 = arith.constant 0 : i32
      %dma_wait3A_61 = tpu.memref_slice %arg5[%dma_wait3A_60, %mul3A_2] : memref<16x16384xf32, #tpu.memory_space<hbm>> -> memref<16x512xf32, #tpu.memory_space<hbm>>
      %dma_wait3A_62 = arith.constant 0 : i32
      %dma_wait3A_63 = tpu.memref_slice %arg5[%dma_wait3A_62, %mul3A_2] : memref<16x16384xf32, #tpu.memory_space<hbm>> -> memref<16x512xf32, #tpu.memory_space<hbm>>
      tpu.wait_dma2 semaphore(%run_scoped3A : memref<!tpu.dma_semaphore, #tpu.memory_space<semaphore_mem>>) src(%arg13 : memref<16x512xf32, #tpu.memory_space<vmem>>) dst(%dma_wait3A_63 : memref<16x512xf32, #tpu.memory_space<hbm>>)
      tpu.yield
    }) : () -> ()
    return
  }
}

</mosaic_0001>

<sc_bundles>
// kernel: _run.3.cloned.1.call-start
scs
__scs_entry_jumppad:
0x0: {  	(pc) =	sbr.rel $0x88, $3  }
0x1: {  	(tag) =	ssettag $0x0;
	lr =	simm.s32 $0x1  }
0x2: {  	[smem:$0x3F9E] =	sst lr;
	_ =	strace $0xD0000000  }
0x3: {  	_ = 	snop  }
0x4: {  	_ = 	snop  }
0x5: {  	_ = 	snop  }
0x6: {  	_ = 	snop  }
0x7: {  	_ = 	snop  }
__scs_overlays_trampoline_lowered:
0x8: {  	[smem:$0x3FAD] =	sst s0  }
0x9: {  	[smem:$0x3FAE] =	sst s1  }
0xa: {  	[smem:$0x3FAF] =	sst s2  }
0xb: {  	[smem:$0x3FB0] =	sst s3  }
0xc: {  	[smem:$0x3FB1] =	sst s4  }
0xd: {  	[smem:$0x3FB2] =	sst s5  }
0xe: {  	[smem:$0x3FB3] =	sst s6  }
0xf: {  	[smem:$0x3FB4] =	sst s7  }
0x10: {  	[smem:$0x3FB5] =	sst s8  }
0x11: {  	[smem:$0x3FB6] =	sst s9;
	s0 =	simm.s32 @!p0 $0x0  }
0x12: {  	s1 =	sld [smem:$0x3F9C];
	s0 =	simm.s32 @p0 $0x1  }
0x13: {  	[smem:$0x3FB7] =	sst s0;
	s0 =	simm.s32 @!p1 $0x0  }
0x14: {  	s2 =	sld [smem:$0x3F9B];
	s0 =	simm.s32 @p1 $0x1  }
0x15: {  	[smem:$0x3FB8] =	sst s0;
	s0 =	simm.s32 @!p2 $0x0  }
0x16: {  	s3 =	sld [smem:$0x3FDB];
	s0 =	simm.s32 @p2 $0x1  }
0x17: {  	s4 =	simm.s32 $0x1BF5;
	[smem:$0x3FBA] =	sst s0  }
0x18: {  	s0 =	sld [smem:$0x3F9D];
	_ =	swait.ge [sflag:s4], $0x0  }
0x19: {  	s7 =	sld [smem:$0x3F9E]  }
0x1a: {  	s8 =	sadd.s32 $0xFFFFE003, lr  }
0x1b: {  	s9 =	sadd.s32 $0xFFFFFEF7, lr;
	s5 =	simm.s32 $0xFFFFFFFF;
	p2 =	slt.u32 s8, $0xFFFFF086  }
0x1c: {  	p1 =	slt.u32 s9, $0xF7A;
	s5 =	simm.s32 @!p2 $0x0  }
0x1d: {  	s5 =	simm.s32 @p1 $0x1;
	p0 =	seq.s32 s7, s2  }
0x1e: {  	s7 =	smul.u32 @!p0 $0xF7A, s2;
	p2 =	seq.s32 @!p0 s5, $0x0  }
0x1f: {  	s9 =	smul.u32 $0xF7A, s1;
	s8 =	simm.s32 @!p0 $0x1BF5;
	p2 =	por !p2, p0  }
0x20: {  	[sflag:s8] =	ssyncset.s32 @!p0 $0xFFFFF086;
	s6 =	sadd.s32 @!p0 s3, s7;
	s7 =	simm.s32 @!p0 $0x108  }
0x21: {  	s3 =	sadd.s32 s3, s9;
	s6 =	sadd.s32 @!p0 $0x88, s6;
	s7 =	simm.s32 @p2 $0x1082  }
0x22: {  	[simem:s7], [sflag:s8] =	dma.local @!p0 [hbm:s6], $0xF7A  }
0x23: {  	s9 =	sor.u32 $0xD0000000, s2;
	s6 =	simm.s32 $0x108;
	_ =	swait.ge @!p0 [sflag:s8], $0x0  }
0x24: {  	s3 =	sadd.s32 $0x88, s3;
	s6 =	simm.s32 @!p1 $0x1082;
	[sflag:s4] =	ssyncset.s32 $0xFFFFF086  }
0x25: {  	[simem:s6], [sflag:s4] =	dma.local [hbm:s3], $0xF7A  }
0x26: {  	[smem:$0x3F9E] =	sst s1;
	(tag) =	ssettag s2;
	_ =	strace s9  }
0x27: {  	s1 =	sld [smem:$0x3FAE]  }
0x28: {  	s2 =	sld [smem:$0x3FAF]  }
0x29: {  	s4 =	sld [smem:$0x3FB1]  }
0x2a: {  	p0 =	seq.s32 s5, $0x0;
	s5 =	sld [smem:$0x3FB2]  }
0x2b: {  	s6 =	sld [smem:$0x3FB3]  }
0x2c: {  	s7 =	sld [smem:$0x3FB4]  }
0x2d: {  	s3 =	simm.s32 $0x108;
	s8 =	sld [smem:$0x3FB5]  }
0x2e: {  	s3 =	simm.s32 @!p0 $0x1082;
	s9 =	sld [smem:$0x3FB6]  }
0x2f: {  	lr =	sadd.s32 s0, s3;
	s0 =	sld [smem:$0x3FAD]  }
0x30: {  	s3 =	sld [smem:$0x3FB0]  }
0x31: {  	[smem:$0x3FB9] =	sst s10  }
0x32: {  	s10 =	sld [smem:$0x3FB7];
	_ =	sdelay $0x3  }
0x33: {  	p0 =	seq.s32 s10, $0x1;
	s10 =	sld [smem:$0x3FB9];
	_ =	sdelay $0x3  }
0x34: {  	[smem:$0x3FB9] =	sst s10  }
0x35: {  	s10 =	sld [smem:$0x3FB8];
	_ =	sdelay $0x3  }
0x36: {  	p1 =	seq.s32 s10, $0x1;
	s10 =	sld [smem:$0x3FB9];
	_ =	sdelay $0x3  }
0x37: {  	[smem:$0x3FB9] =	sst s10  }
0x38: {  	s10 =	sld [smem:$0x3FBA]  }
0x39: {  	_ = 	snop;
	(pc) =	sbr.ind lr, $3  }
0x3a: {  	_ = 	snop  }
0x3b: {  	_ = 	snop  }
0x3c: {  	p2 =	seq.s32 s10, $0x1;
	s10 =	sld [smem:$0x3FB9]  }
0x3d: {  	_ =	shalt  }
0x3e: {  	_ =	shalt  }
0x3f: {  	_ =	shalt  }
0x40: {  	_ =	shalt  }
0x41: {  	_ =	shalt  }
0x42: {  	_ =	shalt  }
0x43: {  	_ =	shalt  }
0x44: {  	_ =	shalt  }
0x45: {  	_ =	shalt  }
0x46: {  	_ =	shalt  }
0x47: {  	_ =	shalt  }
0x48: {  	_ =	shalt  }
0x49: {  	_ =	shalt  }
0x4a: {  	_ =	shalt  }
0x4b: {  	_ =	shalt  }
0x4c: {  	_ =	shalt  }
0x4d: {  	_ =	shalt  }
0x4e: {  	_ =	shalt  }
0x4f: {  	_ =	shalt  }
0x50: {  	_ =	shalt  }
0x51: {  	_ =	shalt  }
0x52: {  	_ =	shalt  }
0x53: {  	_ =	shalt  }
0x54: {  	_ =	shalt  }
0x55: {  	_ =	shalt  }
0x56: {  	_ =	shalt  }
0x57: {  	_ =	shalt  }
0x58: {  	_ =	shalt  }
0x59: {  	_ =	shalt  }
0x5a: {  	_ =	shalt  }
0x5b: {  	_ =	shalt  }
0x5c: {  	_ =	shalt  }
0x5d: {  	_ =	shalt  }
0x5e: {  	_ =	shalt  }
0x5f: {  	_ =	shalt  }
0x60: {  	_ =	shalt  }
0x61: {  	_ =	shalt  }
0x62: {  	_ =	shalt  }
0x63: {  	_ =	shalt  }
0x64: {  	_ =	shalt  }
0x65: {  	_ =	shalt  }
0x66: {  	_ =	shalt  }
0x67: {  	_ =	shalt  }
0x68: {  	_ =	shalt  }
0x69: {  	_ =	shalt  }
0x6a: {  	_ =	shalt  }
0x6b: {  	_ =	shalt  }
0x6c: {  	_ =	shalt  }
0x6d: {  	_ =	shalt  }
0x6e: {  	_ =	shalt  }
0x6f: {  	_ =	shalt  }
0x70: {  	_ =	shalt  }
0x71: {  	_ =	shalt  }
0x72: {  	_ =	shalt  }
0x73: {  	_ =	shalt  }
0x74: {  	_ =	shalt  }
0x75: {  	_ =	shalt  }
0x76: {  	_ =	shalt  }
0x77: {  	_ =	shalt  }
0x78: {  	_ =	shalt  }
0x79: {  	_ =	shalt  }
0x7a: {  	_ =	shalt  }
0x7b: {  	_ =	shalt  }
0x7c: {  	_ =	shalt  }
0x7d: {  	_ =	shalt  }
0x7e: {  	_ =	shalt  }
0x7f: {  	_ =	shalt  }
0x80: {  	_ =	shalt  }
0x81: {  	_ =	shalt  }
0x82: {  	_ =	shalt  }
0x83: {  	_ =	shalt  }
0x84: {  	_ =	shalt  }
0x85: {  	_ =	shalt  }
0x86: {  	_ =	shalt  }
0x87: {  	_ =	shalt  }
.Lfunc_end0:
.L_simem_size_0:
called_computation_lowered:
.L_overlay_start_0:
0x88: {  	s2 =	sld [smem:$0x3FD9]  }
0x89: {  	s3 =	sld [smem:$0x3FFE];
	_ =	sdelay $0x1  }
0x8a: {  	s1 =	srdreg.scid  }
0x8b: {  	s0 =	sand.u32 $0x1, s1  }
0x8c: {  	s17 =	sshll.u32 s0, $0xA;
	s2 =	sadd.s32 s3, s2  }
0x8d: {  	s2 =	sadd.s32 s2, s17  }
0x8e: {  	[smem:$0x3FC5] =	sst s2  }
0x8f: {  	_ = 	snop  }
0x90: {  	s2 =	sld [smem:$0x3FC7];
	(tm) =	ssettm $0x1  }
0x91: {  	s18 =	sld [smem:$0x3FFB];
	_ =	sdelay $0x3  }
0x92: {  	_ =	strace s18  }
0x93: {  	s3 =	sld [smem:$0x3FFC];
	_ =	sdelay $0x3  }
0x94: {  	_ =	strace s3  }
0x95: {  	s3 =	sld [smem:$0x3FFD];
	_ =	sdelay $0x3  }
0x96: {  	_ =	strace s3  }
0x97: {  	_ =	strace $0x8FFFFFFF  }
0x98: {  	s19 =	sld [smem:$0x3FDB];
	_ =	sdelay $0x1  }
0x99: {  	s4 =	simm.s32 $_scs_section_size  }
0x9a: {  	s5 =	simm.s32 $_size__tile_overlayer_lowered;
	s6 =	simm.s32 $_tile_overlayer_lowered  }
0x9b: {  	s22 =	simm.s32 $0x1BFF;
	s21 =	sshll.u32 s6, $0x1;
	s3 =	sadd.s32 s4, s19  }
0x9c: {  	s7 =	simm.s32 $0x0;
	s20 =	sshll.u32 s5, $0x1;
	s5 =	sadd.s32 s21, s3  }
0x9d: {  	[timem:s7], [sflag:s22] =	dma.local [hbm:s5], s20  }
0x9e: {  	_ =	swait.ge [sflag:s22], s20  }
0x9f: {  	s4 =	ssub.s32 $0x0, s20;
	[sflag:s22] =	ssyncset.done $0x0  }
0xa0: {  	[sflag:s22] =	ssyncadd.s32 s4;
	_ =	sdelay $0x1  }
0xa1: {  	s23 =	simm.s32 $0x1B8B  }
0xa2: {  	_ =	swait.ge [sflag:s23], $0x1  }
0xa3: {  	[sflag:s23] =	ssyncset.done $0x0  }
0xa4: {  	s25 =	simm.s32 $0x1B8E;
	s24 =	sld [smem:$0x3FFE];
	[sflag:s23] =	ssyncadd.s32 $0xFFFFFFFF  }
0xa5: {  	s26 =	simm.s32 $execute0_lowered;
	[smem:$0x3FD2] =	sst s25  }
0xa6: {  	s5 =	sshll.u32 s26, $0x1;
	_ =	strace $0x80000046;
	[dreg:$0x1] =	wrdreg $0xFFFFFFFF  }
0xa7: {  	s28 =	simm.s32 $_size_execute0_lowered;
	s3 =	sadd.s32 s3, s5;
	[dreg:$0x0] =	wrdreg $0x0  }
0xa8: {  	s5 =	sshll.u32 s28, $0x1;
	[dreg:$0x2] =	wrdreg s3  }
0xa9: {  	[dreg:$0x3] =	wrdreg s5  }
0xaa: {  	[dreg:$0x4] =	wrdreg $0xC0  }
0xab: {  	_ =	task [dreg:s7], $0x5FFFF  }
0xac: {  	[dreg:$0x1] =	wrdreg $0xFFFFFFFF  }
0xad: {  	[dreg:$0x0] =	wrdreg $0x60  }
0xae: {  	[dreg:$0x2] =	wrdreg s24  }
0xaf: {  	[dreg:$0x3] =	wrdreg s2  }
0xb0: {  	[dreg:$0x4] =	wrdreg $0x9  }
0xb1: {  	_ =	task.clear_ibuf [dreg:s7], $0x5FFFF;
	_ =	strace $0x90000046  }
0xb2: {  	s29 =	simm.s32 $0x9;
	_ =	strace $0x80000048  }
0xb3: {  	_ =	swait.ge [sflag:s29], $0x1  }
0xb4: {  	[sflag:s29] =	ssyncadd.s32 $0xFFFFFFFF  }
0xb5: {  	_ =	strace $0x90000048  }
0xb6: {  	_ =	sfence  }
0xb7: {  	s30 =	sld [smem:$0x0];
	_ =	sdelay $0x2  }
0xb8: {  	s31 =	sshll.u32 s1, $0xD;
	s1 =	sshrl.u32 s1, $0x2  }
0xb9: {  	s3 =	sand.u32 $0x4000, s31;
	s1 =	sadd.s32 s1, s30  }
0xba: {  	s0 =	sor.u32 s3, s0;
	s1 =	sshll.u32 s1, $0x11  }
0xbb: {  	s0 =	sor.u32 s1, s0  }
0xbc: {  	s0 =	sadd.s32 $0x8F2B, s0  }
0xbd: {  	[sflag:s0] =	ssyncadd.remote.s32 $0x1  }
0xbe: {  	_ =	sfence.sel $0xFFFF  }
0xbf: {  	[dreg:$0x0] =	wrdreg $0xFFFFFFFF;
	(pc) =	sbr.abs _section_cstart, $3  }
0xc0: {  	[dreg:$0x1] =	wrdreg $0xFFFFFFFF  }
0xc1: {  	_ =	task.clear_ibuf [dreg:s7], $0x2FFFF;
	_ =	strace $0x9FFFFFFF  }
0xc2: {  	(tm) =	ssettm $0x7FFFFFFF  }
0xc3: {  	_ =	shalt  }
tec
execute0_lowered:
.L_overlay_start_1:
0x0: {  	(tag) =	ssettag $0x1  }
0x1: {  	s0 =	rddreg [dreg:$0x0]  }
0x2: {  	s1 =	rddreg [dreg:$0x1];
	s2 =	simm.s32 $0x0;
	s3 =	srdreg.scid  }
0x3: {  	s22 =	stileid.u32;
	[smem:$0x7FF] =	sst s2;
	s23 =	sadd.s32 $0x600, s0  }
0x4: {  	s24 =	sadd.s32 $0x9A00, s0;
	_ =	strace $0x80000047;
	[dreg:$0x3] =	wrdreg s23  }
0x5: {  	s3 =	sand.u32 $0x1, s3;
	s26 =	sadd.s32 $0x36D4, s0;
	[dreg:$0x4] =	wrdreg s24  }
0x6: {  	s4 =	sshll.u32 s22, $0xA;
	s28 =	sadd.s32 $0x67A8, s0;
	[dreg:$0x6] =	wrdreg s26  }
0x7: {  	s29 =	sadd.s32 $0xCAD4, s0;
	s5 =	sshll.u32 s3, $0x9;
	[dreg:$0x7] =	wrdreg s28  }
0x8: {  	s3 =	ssub.s32 $0x2, s3;
	[dreg:$0x8] =	wrdreg s29;
	s4 =	sor.u32 s5, s4  }
0x9: {  	s6 =	sshrl.u32 s4, $0x3;
	s4 =	sadd.s32 s4, s0;
	s0 =	sadd.s32 $0xFBA8, s0  }
0xa: {  	s25 =	sshrl.u32 s3, $0x1;
	s1 =	sadd.s32 s1, s6;
	[dreg:$0x9] =	wrdreg s0  }
0xb: {  	s3 =	ssub.s32 s3, s25;
	s30 =	sadd.s32 $0x12E00, s4;
	[dreg:$0x5] =	wrdreg s1  }
0xc: {  	v0 =	vimm.f32 $1.000000000e+00;
	s31 =	smax.u32 s3, $0x1;
	[dreg:$0xa] =	wrdreg s30  }
0xd: {  	v2 =	vimm.f32 $0.0e+00;
	v1 =	vand.u32 $0x7FFFFFFF, v0;
	s2 =	simm.s32 $0x0;
	[dreg:$0xb] =	wrdreg s31;
	s1 =	simm.s32 $0x5  }
.LBB2_1:
0xe: {  	[dreg:$0xc] =	wrdreg s2  }
0xf: {  	s2 =	simm.s32 $0x0;
	s0 =	rddreg [dreg:$0x5]  }
0x10: {  	[tilespmem:s2], [sflag:$0x5] =	stream.linear.gather [hbm4b:s0+s2], $0x200, $0x38;
	[tilespmem:$0x2E00] =	vst v63  }
0x11: {  	_ =	swait.ge [sflag:s1], $0x200  }
0x12: {  	[sflag:s1] =	ssyncset.done $0x0  }
0x13: {  	s3 =	simm.s32 $0x200;
	s16 =	rddreg [dreg:$0x3];
	[sflag:s1] =	ssyncadd.s32 $0xFFFFFE00  }
0x14: {  	[tilespmem:s3], [sflag:$0x1] =	stream.indirect.gather [hbm4b:s16+s3], $0x1, s2, s3, $0xb8;
	[tilespmem:$0x2E00] =	vst v63  }
0x15: {  	s4 =	simm.s32 $0x400;
	s17 =	rddreg [dreg:$0x6]  }
0x16: {  	[tilespmem:s4], [sflag:$0x2] =	stream.indirect.gather [hbm4b:s17+s3], $0x1, s2, s3, $0xb8;
	[tilespmem:$0x2E00] =	vst v63  }
0x17: {  	s5 =	simm.s32 $0x600;
	s18 =	rddreg [dreg:$0x7]  }
0x18: {  	[tilespmem:s5], [sflag:$0x3] =	stream.indirect.gather [hbm4b:s18+s3], $0x1, s2, s3, $0xb8;
	[tilespmem:$0x2E00] =	vst v63  }
0x19: {  	s6 =	simm.s32 $0x800;
	s19 =	rddreg [dreg:$0x4]  }
0x1a: {  	[tilespmem:s6], [sflag:$0x4] =	stream.indirect.gather [hbm4b:s19+s3], $0x1, s2, s3, $0xb8;
	[tilespmem:$0x2E00] =	vst v63  }
0x1b: {  	s20 =	simm.s32 $0xA00;
	s21 =	rddreg [dreg:$0x8]  }
0x1c: {  	[tilespmem:s20], [sflag:$0x1] =	stream.indirect.gather [hbm4b:s21+s3], $0x1, s2, s3, $0xb8;
	[tilespmem:$0x2E00] =	vst v63  }
0x1d: {  	s22 =	simm.s32 $0xC00;
	s23 =	simm.s32 $0x1;
	s7 =	rddreg [dreg:$0x9]  }
0x1e: {  	[tilespmem:s22], [sflag:$0x2] =	stream.indirect.gather [hbm4b:s7+s3], $0x1, s2, s3, $0xb8;
	[tilespmem:$0x2E00] =	vst v63  }
0x1f: {  	_ =	swait.ge [sflag:s23], $0x200  }
0x20: {  	[sflag:s23] =	ssyncset.done $0x0  }
0x21: {  	s8 =	simm.s32 $0x2;
	[sflag:s23] =	ssyncadd.s32 $0xFFFFFE00  }
0x22: {  	_ =	swait.ge [sflag:s8], $0x200  }
0x23: {  	[sflag:s8] =	ssyncset.done $0x0  }
0x24: {  	s9 =	simm.s32 $0x3;
	[sflag:s8] =	ssyncadd.s32 $0xFFFFFE00  }
0x25: {  	_ =	swait.ge [sflag:s9], $0x200  }
0x26: {  	[sflag:s9] =	ssyncset.done $0x0  }
0x27: {  	s24 =	simm.s32 $0x4;
	[sflag:s9] =	ssyncadd.s32 $0xFFFFFE00  }
0x28: {  	_ =	swait.ge [sflag:s24], $0x200  }
0x29: {  	[sflag:s24] =	ssyncset.done $0x0  }
0x2a: {  	[sflag:s24] =	ssyncadd.s32 $0xFFFFFE00  }
0x2b: {  	_ =	swait.ge [sflag:s23], $0x200  }
0x2c: {  	[sflag:s23] =	ssyncset.done $0x0  }
0x2d: {  	[sflag:s23] =	ssyncadd.s32 $0xFFFFFE00  }
0x2e: {  	_ =	swait.ge [sflag:s8], $0x200  }
0x2f: {  	[sflag:s8] =	ssyncset.done $0x0  }
0x30: {  	[sflag:s8] =	ssyncadd.s32 $0xFFFFFE00  }
0x31: {  	v3 =	vld [tilespmem:s4+$0x0]  }
0x32: {  	v4 =	vld [tilespmem:s3+$0x0]  }
0x33: {  	v5 =	vld [tilespmem:s5+$0x0];
	_ =	sdelay $0x2  }
0x34: {  	v6 =	vand.u32 $0x7FFFFFFF, v3  }
0x35: {  	v7 =	vand.u32 $0x7FFFFFFF, v4;
	v6 =	vmul.f32 $-2.000000000e+00, v6  }
0x36: {  	v8 =	vand.u32 $0x7FFFFFFF, v5;
	v7 =	vmul.f32 $-2.000000000e+00, v7  }
0x37: {  	v8 =	vmul.f32 $-2.000000000e+00, v8;
	v6 =	vmul.f32 $1.442695020e+00, v6  }
0x38: {  	v7 =	vmul.f32 $1.442695020e+00, v7  }
0x39: {  	(erf) = vpow2.f32 v6;
	v6 =	vmul.f32 $1.442695020e+00, v8  }
0x3a: {  	(erf) = vpow2.f32 v7  }
0x3b: {  	(erf) = vpow2.f32 v6;
	_ =	sdelay $0x6  }
0x3c: {  	v6 =	vpop (erf)  }
0x3d: {  	v7 =	vadd.f32 $1.000000000e+00, v6;
	v8 =	vpop (erf)  }
0x3e: {  	v9 =	vadd.f32 $1.000000000e+00, v8;
	v10 =	vpop (erf)  }
0x3f: {  	v11 =	vand.u32 $0x80000000, v3;
	(erf) = vrcp.f32 v7;
	v7 =	vadd.f32 $1.000000000e+00, v10  }
0x40: {  	vm0 =	vlt.f32 v3, $0.0e+00;
	vm1 =	vgt.f32 v4, $0.0e+00;
	(erf) = vrcp.f32 v9  }
0x41: {  	vm2 =	vlt.f32 v4, $0.0e+00;
	vm7 =	vgt.f32 v3, $0.0e+00;
	(erf) = vrcp.f32 v7  }
0x42: {  	vm8 =	vlt.f32 v5, $0.0e+00;
	vm9 =	vgt.f32 v5, $0.0e+00;
	vm1 =	vmor vm1, vm2;
	v9 =	vld [tilespmem:s6+$0x0]  }
0x43: {  	v11 =	vor.u32 v11, v1;
	vm0 =	vmor vm7, vm0;
	v7 =	vand.u32 $0x80000000, v4  }
0x44: {  	v6 =	vsub.f32 $1.000000000e+00, v6;
	v8 =	vsub.f32 $1.000000000e+00, v8;
	v7 =	vor.u32 v7, v1  }
0x45: {  	v3 =	vsel vm0, v11, v3;
	v4 =	vsel vm1, v7, v4;
	v7 =	vand.u32 $0x80000000, v5  }
0x46: {  	vm0 =	vmor vm9, vm8;
	v3 =	vmul.f32 v6, v3;
	v6 =	vor.u32 v7, v1  }
0x47: {  	v10 =	vsub.f32 $1.000000000e+00, v10;
	v7 =	vand.u32 $0x7FFFFFFF, v9;
	v5 =	vsel vm0, v6, v5;
	v6 =	vld [tilespmem:s20+$0x0]  }
0x48: {  	v4 =	vmul.f32 v8, v4;
	v7 =	vmul.f32 $-2.000000000e+00, v7;
	v8 =	vpop (erf)  }
0x49: {  	v5 =	vmul.f32 v10, v5;
	v3 =	vmul.f32 v8, v3;
	v8 =	vpop (erf)  }
0x4a: {  	v7 =	vmul.f32 $1.442695020e+00, v7;
	v4 =	vmul.f32 v8, v4;
	v8 =	vpop (erf)  }
0x4b: {  	v3 =	vmul.f32 $8.726646010e-02, v3;
	v5 =	vmul.f32 v8, v5;
	v8 =	vld [tilespmem:s22+$0x0]  }
0x4c: {  	(erf) = vpow2.f32 v7;
	v10 =	vand.u32 $0x7FFFFFFF, v6;
	v4 =	vmul.f32 $8.726646010e-02, v4  }
0x4d: {  	v10 =	vmul.f32 $-2.000000000e+00, v10;
	v7 =	vmul.f32 v3, v3  }
0x4e: {  	v5 =	vmul.f32 $8.726646010e-02, v5;
	v11 =	vmul.f32 v4, v4  }
0x4f: {  	v10 =	vmul.f32 $1.442695020e+00, v10  }
0x50: {  	v12 =	vmul.f32 v5, v5;
	v13 =	vadd.f32 v7, v11;
	v14 =	vand.u32 $0x7FFFFFFF, v8  }
0x51: {  	v14 =	vmul.f32 $-2.000000000e+00, v14  }
0x52: {  	(erf) = vpow2.f32 v10;
	v15 =	vadd.f32 v12, v13  }
0x53: {  	v14 =	vmul.f32 $1.442695020e+00, v14  }
0x54: {  	v16 =	vand.u32 $0x80000000, v9;
	vm10 =	vlt.f32 v9, $0.0e+00;
	v10 =	vmul.f32 $2.480158760e-05, v15  }
0x55: {  	v17 =	vpop (erf);
	(erf) = vpow2.f32 v14;
	v14 =	vor.u32 v16, v1;
	v16 =	vmul.f32 $1.984127010e-04, v15  }
0x56: {  	vm11 =	vgt.f32 v9, $0.0e+00;
	v18 =	vadd.f32 $1.000000000e+00, v17;
	v10 =	vsub.f32 $1.388888920e-03, v10  }
0x57: {  	vm0 =	vmor vm11, vm10;
	v16 =	vsub.f32 $8.333333770e-03, v16  }
0x58: {  	v19 =	vand.u32 $0x80000000, v6;
	(erf) = vrcp.f32 v18;
	v10 =	vmul.f32 v10, v15  }
0x59: {  	vm12 =	vgt.f32 v6, $0.0e+00;
	v7 =	vadd.f32 v12, v7;
	v11 =	vadd.f32 v12, v11  }
0x5a: {  	vm13 =	vlt.f32 v6, $0.0e+00;
	v17 =	vsub.f32 $1.000000000e+00, v17;
	v10 =	vadd.f32 $-4.166666790e-02, v10  }
0x5b: {  	v9 =	vsel vm0, v14, v9;
	v14 =	vor.u32 v19, v1;
	v12 =	vmul.f32 v16, v15;
	v16 =	vpop (erf)  }
0x5c: {  	vm0 =	vmor vm12, vm13;
	v10 =	vmul.f32 v10, v15;
	v18 =	vadd.f32 $1.000000000e+00, v16  }
0x5d: {  	v6 =	vsel vm0, v14, v6;
	v12 =	vadd.f32 $-1.666666720e-01, v12;
	v16 =	vsub.f32 $1.000000000e+00, v16  }
0x5e: {  	v9 =	vmul.f32 v17, v9;
	v10 =	vadd.f32 $5.000000000e-01, v10;
	(erf) = vrcp.f32 v18  }
0x5f: {  	v12 =	vmul.f32 v12, v15;
	v15 =	vpop (erf);
	v6 =	vmul.f32 v16, v6  }
0x60: {  	v17 =	vadd.f32 $1.000000000e+00, v15;
	v18 =	vmul.f32 v10, v4;
	v19 =	vmul.f32 v10, v3  }
0x61: {  	v12 =	vadd.f32 $1.000000000e+00, v12;
	v20 =	vpop (erf);
	v11 =	vmul.f32 v10, v11;
	v7 =	vmul.f32 v10, v7  }
0x62: {  	s25 =	sand.u32 $0xC00, s2;
	vm14 =	vlt.f32 v8, $0.0e+00;
	v9 =	vmul.f32 v20, v9;
	(erf) = vrcp.f32 v17  }
0x63: {  	s26 =	sand.u32 $0x60, s2;
	s8 =	sadd.s32 $0xE00, s25;
	v17 =	vmul.f32 v12, v5;
	v11 =	vsub.f32 $1.000000000e+00, v11;
	v7 =	vsub.f32 $1.000000000e+00, v7  }
0x64: {  	s5 =	sor.u32 s26, s8;
	vm15 =	vgt.f32 v8, $0.0e+00;
	v62 =	vmul.f32 v18, v3;
	v9 =	vmul.f32 $1.000000010e-01, v9  }
0x65: {  	v14 =	vand.u32 $0x80000000, v8;
	v3 =	vmul.f32 v12, v3;
	v18 =	vmul.f32 v18, v5;
	[tilespmem:s5+$0x280] =	vst v11  }
0x66: {  	vm0 =	vmor vm15, vm14;
	v4 =	vmul.f32 v12, v4;
	v5 =	vmul.f32 v19, v5;
	[tilespmem:s5+$0x180] =	vst v9  }
0x67: {  	v14 =	vor.u32 v14, v1;
	v11 =	vadd.f32 v62, v17;
	v9 =	vadd.f32 v18, v3;
	[tilespmem:s5+$0x0] =	vst v7;
	v7 =	vpop (erf)  }
0x68: {  	s7 =	sand.u32 $0x3, s2;
	v6 =	vmul.f32 v7, v6;
	v7 =	vsel vm0, v14, v8;
	v8 =	vsub.f32 v5, v4  }
0x69: {  	s3 =	sshll.u32 s7, $0x5;
	v15 =	vsub.f32 $1.000000000e+00, v15;
	v12 =	vsub.f32 v62, v17;
	[tilespmem:s5+$0x200] =	vst v11  }
0x6a: {  	s3 =	sadd.s32 $0x0, s3;
	[tilespmem:s5+$0x100] =	vst v9  }
0x6b: {  	s9 =	sor.u32 s2, s2;
	s10 =	sor.u32 $0x300, s3;
	[tilespmem:s5+$0x80] =	vst v12;
	v7 =	vmul.f32 v15, v7;
	v6 =	vmul.f32 $1.000000010e-01, v6  }
0x6c: {  	s0 =	sadd.s32 $0x1E00, s25;
	s4 =	sor.u32 $0x380, s9;
	v3 =	vsub.f32 v18, v3;
	v9 =	vmul.f32 v10, v13;
	[tilespmem:s10+$0xE00] =	vst v8;
	v8 =	vpop (erf)  }
0x6d: {  	s11 =	sadd.s32 $0x1E80, s25;
	s12 =	sor.u32 s26, s0;
	v4 =	vadd.f32 v5, v4;
	[tilespmem:s4+$0xE00] =	vst v6;
	v5 =	vmul.f32 v8, v7  }
0x6e: {  	s13 =	sadd.s32 $0x1F00, s25;
	s17 =	sor.u32 s26, s11;
	v6 =	vsub.f32 $1.000000000e+00, v9;
	[tilespmem:s12+$0x0] =	vst v3  }
0x6f: {  	s14 =	sadd.s32 $0x1F80, s25;
	s18 =	sor.u32 s26, s13;
	[tilespmem:s17+$0x0] =	vst v4;
	v3 =	vmul.f32 $1.000000010e-01, v5  }
0x70: {  	s15 =	sor.u32 $0x2000, s25;
	s21 =	sor.u32 s26, s14;
	[tilespmem:s18+$0x0] =	vst v6  }
0x71: {  	s16 =	sor.u32 s26, s15;
	s19 =	sor.u32 $0x2080, s25;
	[tilespmem:s21+$0x0] =	vst v3  }
0x72: {  	s23 =	sor.u32 $0x2100, s25;
	s20 =	sor.u32 s26, s19;
	[tilespmem:s16+$0x0] =	vst v2  }
0x73: {  	s24 =	sor.u32 s26, s23;
	s22 =	sor.u32 $0x2180, s25;
	[tilespmem:s20+$0x0] =	vst v2  }
0x74: {  	s1 =	sor.u32 $0x10, s26;
	s25 =	sor.u32 s26, s22;
	s26 =	sand.u32 $0x180, s2;
	[tilespmem:s24+$0x0] =	vst v2  }
0x75: {  	s6 =	sor.u32 s26, s1;
	[tilespmem:s25+$0x0] =	vst v0  }
0x76: {  	v3 =	vld [tilespmem:s6+$0x400]  }
0x77: {  	v4 =	vld [tilespmem:s6+$0x200]  }
0x78: {  	v5 =	vld [tilespmem:s6+$0x600];
	_ =	sdelay $0x2  }
0x79: {  	v6 =	vand.u32 $0x7FFFFFFF, v3  }
0x7a: {  	v7 =	vand.u32 $0x7FFFFFFF, v4;
	v6 =	vmul.f32 $-2.000000000e+00, v6  }
0x7b: {  	v8 =	vand.u32 $0x7FFFFFFF, v5;
	v7 =	vmul.f32 $-2.000000000e+00, v7  }
0x7c: {  	v8 =	vmul.f32 $-2.000000000e+00, v8;
	v6 =	vmul.f32 $1.442695020e+00, v6  }
0x7d: {  	v7 =	vmul.f32 $1.442695020e+00, v7  }
0x7e: {  	v8 =	vmul.f32 $1.442695020e+00, v8;
	(erf) = vpow2.f32 v6  }
0x7f: {  	v6 =	vld [tilespmem:s6+$0xA00];
	(erf) = vpow2.f32 v7  }
0x80: {  	(erf) = vpow2.f32 v8;
	_ =	sdelay $0x3  }
0x81: {  	v8 =	vand.u32 $0x7FFFFFFF, v6  }
0x82: {  	v8 =	vmul.f32 $-2.000000000e+00, v8  }
0x83: {  	v11 =	vld [tilespmem:s6+$0xC00];
	v12 =	vand.u32 $0x80000000, v3  }
0x84: {  	v13 =	vand.u32 $0x80000000, v4;
	vm4 =	vgt.f32 v4, $0.0e+00;
	v8 =	vmul.f32 $1.442695020e+00, v8;
	v10 =	vpop (erf)  }
0x85: {  	vm5 =	vlt.f32 v4, $0.0e+00;
	vm6 =	vlt.f32 v3, $0.0e+00;
	v14 =	vadd.f32 $1.000000000e+00, v10;
	v15 =	vpop (erf)  }
0x86: {  	vm0 =	vmor vm4, vm5;
	(erf) = vpow2.f32 v8;
	v16 =	vadd.f32 $1.000000000e+00, v15;
	v17 =	vpop (erf)  }
0x87: {  	v13 =	vor.u32 v13, v1;
	v7 =	vld [tilespmem:s6+$0x800];
	v8 =	vadd.f32 $1.000000000e+00, v17;
	(erf) = vrcp.f32 v14  }
0x88: {  	v4 =	vsel vm0, v13, v4;
	v13 =	vand.u32 $0x7FFFFFFF, v11;
	(erf) = vrcp.f32 v16  }
0x89: {  	vm7 =	vgt.f32 v3, $0.0e+00;
	v13 =	vmul.f32 $-2.000000000e+00, v13;
	(erf) = vrcp.f32 v8  }
0x8a: {  	vm8 =	vlt.f32 v5, $0.0e+00;
	v12 =	vor.u32 v12, v1;
	vm0 =	vmor vm7, vm6  }
0x8b: {  	vm3 =	vgt.f32 v5, $0.0e+00;
	v3 =	vsel vm0, v12, v3;
	v13 =	vmul.f32 $1.442695020e+00, v13  }
0x8c: {  	v9 =	vand.u32 $0x7FFFFFFF, v7;
	v12 =	vsub.f32 $1.000000000e+00, v15;
	v8 =	vand.u32 $0x80000000, v5  }
0x8d: {  	v9 =	vmul.f32 $-2.000000000e+00, v9;
	v10 =	vsub.f32 $1.000000000e+00, v10;
	v8 =	vor.u32 v8, v1  }
0x8e: {  	vm9 =	vmor vm3, vm8;
	v4 =	vmul.f32 v12, v4  }
0x8f: {  	v9 =	vmul.f32 $1.442695020e+00, v9;
	v14 =	vsub.f32 $1.000000000e+00, v17;
	(erf) = vpow2.f32 v13;
	v13 =	vpop (erf)  }
0x90: {  	v3 =	vmul.f32 v10, v3;
	v5 =	vsel vm9, v8, v5;
	v8 =	vpop (erf)  }
0x91: {  	v5 =	vmul.f32 v14, v5;
	v10 =	vpop (erf);
	(erf) = vpow2.f32 v9  }
0x92: {  	v8 =	vmul.f32 v8, v3;
	v3 =	vmul.f32 v10, v4;
	v4 =	vpop (erf)  }
0x93: {  	v4 =	vmul.f32 v4, v5  }
0x94: {  	v14 =	vmul.f32 $8.726646010e-02, v8;
	v3 =	vmul.f32 $8.726646010e-02, v3  }
0x95: {  	v5 =	vmul.f32 $8.726646010e-02, v4  }
0x96: {  	v9 =	vmul.f32 v14, v14;
	v10 =	vmul.f32 v3, v3  }
0x97: {  	vm12 =	vlt.f32 v11, $0.0e+00;
	vm13 =	vgt.f32 v11, $0.0e+00  }
0x98: {  	vm1 =	vmor vm13, vm12;
	v17 =	vmul.f32 v5, v5;
	v4 =	vadd.f32 v9, v10  }
0x99: {  	vm14 =	vgt.f32 v6, $0.0e+00;
	vm10 =	vgt.f32 v7, $0.0e+00;
	v12 =	vadd.f32 $1.000000000e+00, v13;
	v15 =	vpop (erf)  }
0x9a: {  	vm11 =	vlt.f32 v7, $0.0e+00;
	v16 =	vadd.f32 $1.000000000e+00, v15;
	v18 =	vadd.f32 v17, v4;
	v19 =	vpop (erf)  }
0x9b: {  	vm0 =	vmor vm10, vm11;
	(erf) = vrcp.f32 v12;
	v12 =	vadd.f32 $1.000000000e+00, v19  }
0x9c: {  	v8 =	vand.u32 $0x80000000, v7;
	(erf) = vrcp.f32 v16;
	v16 =	vmul.f32 $2.480158760e-05, v18  }
0x9d: {  	v8 =	vor.u32 v8, v1;
	(erf) = vrcp.f32 v12;
	v12 =	vmul.f32 $1.984127010e-04, v18  }
0x9e: {  	v63 =	vand.u32 $0x80000000, v6;
	v7 =	vsel vm0, v8, v7;
	v8 =	vsub.f32 $1.388888920e-03, v16  }
0x9f: {  	vm15 =	vlt.f32 v6, $0.0e+00;
	v20 =	vor.u32 v63, v1;
	v12 =	vsub.f32 $8.333333770e-03, v12  }
0xa0: {  	v13 =	vsub.f32 $1.000000000e+00, v13;
	vm0 =	vmor vm14, vm15;
	v8 =	vmul.f32 v8, v18  }
0xa1: {  	v15 =	vsub.f32 $1.000000000e+00, v15;
	v6 =	vsel vm0, v20, v6;
	v12 =	vmul.f32 v12, v18  }
0xa2: {  	v19 =	vsub.f32 $1.000000000e+00, v19;
	v16 =	vand.u32 $0x80000000, v11;
	v8 =	vadd.f32 $-4.166666790e-02, v8  }
0xa3: {  	v6 =	vmul.f32 v13, v6;
	v16 =	vor.u32 v16, v1;
	v12 =	vadd.f32 $-1.666666720e-01, v12  }
0xa4: {  	s28 =	simm.s32 $0x220;
	v13 =	vpop (erf);
	v11 =	vsel vm1, v16, v11;
	v16 =	vmul.f32 v19, v7;
	v8 =	vmul.f32 v8, v18  }
0xa5: {  	s29 =	simm.s32 $0x420;
	s30 =	simm.s32 $0x0;
	s31 =	simm.s32 $0x0;
	v11 =	vmul.f32 v15, v11;
	v15 =	vpop (erf);
	v12 =	vmul.f32 v12, v18  }
0xa6: {  	s7 =	sor.u32 s1, s11;
	s8 =	sor.u32 s1, s8;
	s19 =	sor.u32 s1, s19;
	v7 =	vmul.f32 v13, v6;
	v8 =	vadd.f32 $5.000000000e-01, v8;
	v13 =	vpop (erf)  }
0xa7: {  	s26 =	simm.s32 $0x20;
	s5 =	sor.u32 s1, s13;
	s4 =	sor.u32 s1, s22;
	v6 =	vmul.f32 v15, v11;
	v13 =	vmul.f32 v13, v16;
	v12 =	vadd.f32 $1.000000000e+00, v12  }
0xa8: {  	s22 =	simm.s32 $0xC20;
	s17 =	sor.u32 s1, s15;
	s18 =	sor.u32 s1, s14;
	v18 =	vmul.f32 v8, v3;
	v16 =	vmul.f32 v8, v14  }
0xa9: {  	s21 =	simm.s32 $0x0;
	s24 =	simm.s32 $0x820;
	s25 =	simm.s32 $0xA20;
	v9 =	vadd.f32 v17, v9;
	v11 =	vmul.f32 v12, v14;
	v15 =	vmul.f32 v12, v5  }
0xaa: {  	s6 =	sadd.s32 $0x10, s3;
	s3 =	sor.u32 s1, s23;
	s23 =	simm.s32 $0x620;
	v10 =	vadd.f32 v17, v10;
	v17 =	vmul.f32 v18, v14;
	v14 =	vmul.f32 v18, v5  }
.LBB2_2:
0xab: {  	s21 =	sadd.s32 $0x2, s21;
	v5 =	vmul.f32 v16, v5;
	v9 =	vmul.f32 v8, v9;
	s30 =	sadd.s32 $0x100, s30;
	s31 =	sadd.s32 $0x1, s31  }
0xac: {  	v10 =	vmul.f32 v8, v10;
	p0 =	slt.u32 s21, $0x1E;
	v16 =	vsub.f32 v17, v15;
	v18 =	vadd.f32 v14, v11  }
0xad: {  	v13 =	vmul.f32 $1.000000010e-01, v13;
	v3 =	vmul.f32 v12, v3;
	v12 =	vadd.f32 v17, v15  }
0xae: {  	v4 =	vmul.f32 v8, v4;
	v11 =	vsub.f32 v14, v11;
	v10 =	vsub.f32 $1.000000000e+00, v10;
	[tilespmem:s8+$0x100] =	vst v18  }
0xaf: {  	v8 =	vsub.f32 $1.000000000e+00, v9;
	v9 =	vadd.f32 v5, v3;
	[tilespmem:s8+$0x200] =	vst v12  }
0xb0: {  	v3 =	vsub.f32 v5, v3;
	[tilespmem:s8+$0x180] =	vst v13  }
0xb1: {  	s9 =	sor.u32 $0x300, s6;
	[tilespmem:s8+$0x0] =	vst v8  }
0xb2: {  	s6 =	sor.u32 $0x380, s6;
	[tilespmem:s8+$0x80] =	vst v16  }
0xb3: {  	s0 =	sor.u32 s1, s0;
	v5 =	vmul.f32 $1.000000010e-01, v7;
	[tilespmem:s8+$0x280] =	vst v10  }
0xb4: {  	[tilespmem:s9+$0xE00] =	vst v3  }
0xb5: {  	[tilespmem:s6+$0xE00] =	vst v5  }
0xb6: {  	v3 =	vsub.f32 $1.000000000e+00, v4;
	[tilespmem:s0+$0x0] =	vst v11  }
0xb7: {  	v4 =	vmul.f32 $1.000000010e-01, v6;
	[tilespmem:s7+$0x0] =	vst v9  }
0xb8: {  	[tilespmem:s5+$0x0] =	vst v3  }
0xb9: {  	[tilespmem:s18+$0x0] =	vst v4  }
0xba: {  	[tilespmem:s17+$0x0] =	vst v2  }
0xbb: {  	[tilespmem:s19+$0x0] =	vst v2  }
0xbc: {  	[tilespmem:s3+$0x0] =	vst v2  }
0xbd: {  	[tilespmem:s4+$0x0] =	vst v0;
	_ =	sdelay $0x1  }
0xbe: {  	v3 =	vld [tilespmem:s29+$0x0]  }
0xbf: {  	v4 =	vld [tilespmem:s28+$0x0];
	_ =	sdelay $0x1  }
0xc0: {  	v5 =	vld [tilespmem:s23+$0x0];
	_ =	sdelay $0x1  }
0xc1: {  	v6 =	vand.u32 $0x7FFFFFFF, v3;
	v7 =	vand.u32 $0x80000000, v3;
	vm0 =	vlt.f32 v3, $0.0e+00  }
0xc2: {  	v8 =	vand.u32 $0x7FFFFFFF, v4;
	vm1 =	vgt.f32 v4, $0.0e+00;
	v6 =	vmul.f32 $-2.000000000e+00, v6  }
0xc3: {  	v9 =	vand.u32 $0x80000000, v4;
	vm2 =	vlt.f32 v4, $0.0e+00;
	v8 =	vmul.f32 $-2.000000000e+00, v8  }
0xc4: {  	vm1 =	vmor vm1, vm2;
	v6 =	vmul.f32 $1.442695020e+00, v6;
	v10 =	vand.u32 $0x7FFFFFFF, v5  }
0xc5: {  	vm2 =	vgt.f32 v3, $0.0e+00;
	v8 =	vmul.f32 $1.442695020e+00, v8;
	v10 =	vmul.f32 $-2.000000000e+00, v10  }
0xc6: {  	v7 =	vor.u32 v7, v1;
	v9 =	vor.u32 v9, v1;
	(erf) = vpow2.f32 v6  }
0xc7: {  	vm0 =	vmor vm2, vm0;
	v6 =	vmul.f32 $1.442695020e+00, v10;
	(erf) = vpow2.f32 v8  }
0xc8: {  	v4 =	vsel vm1, v9, v4;
	v3 =	vsel vm0, v7, v3;
	v7 =	vand.u32 $0x80000000, v5  }
0xc9: {  	vm1 =	vgt.f32 v5, $0.0e+00;
	vm0 =	vlt.f32 v5, $0.0e+00;
	(erf) = vpow2.f32 v6  }
0xca: {  	vm0 =	vmor vm1, vm0;
	_ =	sdelay $0x4  }
0xcb: {  	v6 =	vpop (erf)  }
0xcc: {  	v8 =	vsub.f32 $1.000000000e+00, v6;
	v11 =	vadd.f32 $1.000000000e+00, v6;
	v9 =	vpop (erf)  }
0xcd: {  	v10 =	vsub.f32 $1.000000000e+00, v9;
	v9 =	vadd.f32 $1.000000000e+00, v9  }
0xce: {  	(erf) = vrcp.f32 v11;
	v6 =	vpop (erf)  }
0xcf: {  	v11 =	vsub.f32 $1.000000000e+00, v6;
	v6 =	vadd.f32 $1.000000000e+00, v6;
	(erf) = vrcp.f32 v9;
	_ =	sdelay $0x1  }
0xd0: {  	(erf) = vrcp.f32 v6;
	_ =	sdelay $0x2  }
0xd1: {  	v6 =	vld [tilespmem:s24+$0x0];
	_ =	sdelay $0x1  }
0xd2: {  	v3 =	vmul.f32 v8, v3  }
0xd3: {  	v4 =	vmul.f32 v10, v4;
	v9 =	vor.u32 v7, v1;
	v8 =	vpop (erf)  }
0xd4: {  	v5 =	vsel vm0, v9, v5;
	v3 =	vmul.f32 v8, v3;
	v7 =	vpop (erf)  }
0xd5: {  	v5 =	vmul.f32 v11, v5;
	v4 =	vmul.f32 v7, v4;
	v7 =	vand.u32 $0x80000000, v6  }
0xd6: {  	v8 =	vand.u32 $0x7FFFFFFF, v6;
	v3 =	vmul.f32 $8.726646010e-02, v3;
	v9 =	vld [tilespmem:s25+$0x0];
	v10 =	vpop (erf)  }
0xd7: {  	v7 =	vor.u32 v7, v1;
	v4 =	vmul.f32 $8.726646010e-02, v4;
	v5 =	vmul.f32 v10, v5  }
0xd8: {  	vm0 =	vlt.f32 v6, $0.0e+00;
	vm1 =	vgt.f32 v6, $0.0e+00;
	v10 =	vmul.f32 v3, v3  }
0xd9: {  	vm0 =	vmor vm1, vm0;
	v5 =	vmul.f32 $8.726646010e-02, v5;
	v11 =	vmul.f32 v4, v4  }
0xda: {  	v8 =	vmul.f32 $-2.000000000e+00, v8;
	v6 =	vsel vm0, v7, v6  }
0xdb: {  	v7 =	vand.u32 $0x80000000, v9;
	v12 =	vmul.f32 v5, v5;
	v13 =	vadd.f32 v10, v11  }
0xdc: {  	v8 =	vmul.f32 $1.442695020e+00, v8;
	v14 =	vand.u32 $0x7FFFFFFF, v9  }
0xdd: {  	v7 =	vor.u32 v7, v1;
	v15 =	vadd.f32 v12, v13;
	v10 =	vadd.f32 v12, v10  }
0xde: {  	vm0 =	vgt.f32 v9, $0.0e+00;
	v11 =	vadd.f32 v12, v11;
	v16 =	vld [tilespmem:s22+$0x0];
	(erf) = vpow2.f32 v8  }
0xdf: {  	vm1 =	vlt.f32 v9, $0.0e+00;
	v8 =	vmul.f32 $1.984127010e-04, v15;
	v12 =	vmul.f32 $2.480158760e-05, v15  }
0xe0: {  	v14 =	vmul.f32 $-2.000000000e+00, v14;
	vm0 =	vmor vm0, vm1  }
0xe1: {  	v7 =	vsel vm0, v7, v9;
	v8 =	vsub.f32 $8.333333770e-03, v8;
	v9 =	vsub.f32 $1.388888920e-03, v12  }
0xe2: {  	v12 =	vmul.f32 $1.442695020e+00, v14  }
0xe3: {  	v14 =	vand.u32 $0x7FFFFFFF, v16;
	v8 =	vmul.f32 v8, v15;
	v9 =	vmul.f32 v9, v15  }
0xe4: {  	v17 =	vand.u32 $0x80000000, v16;
	v14 =	vmul.f32 $-2.000000000e+00, v14;
	(erf) = vpow2.f32 v12  }
0xe5: {  	v12 =	vor.u32 v17, v1;
	v8 =	vadd.f32 $-1.666666720e-01, v8;
	v9 =	vadd.f32 $-4.166666790e-02, v9  }
0xe6: {  	vm0 =	vlt.f32 v16, $0.0e+00;
	vm1 =	vgt.f32 v16, $0.0e+00;
	v14 =	vmul.f32 $1.442695020e+00, v14  }
0xe7: {  	vm0 =	vmor vm1, vm0;
	v8 =	vmul.f32 v8, v15;
	v9 =	vmul.f32 v9, v15;
	v15 =	vpop (erf)  }
0xe8: {  	v17 =	vsub.f32 $1.000000000e+00, v15;
	v15 =	vadd.f32 $1.000000000e+00, v15;
	(erf) = vpow2.f32 v14  }
0xe9: {  	v12 =	vsel vm0, v12, v16;
	v9 =	vadd.f32 $5.000000000e-01, v9  }
0xea: {  	v8 =	vadd.f32 $1.000000000e+00, v8;
	(erf) = vrcp.f32 v15  }
0xeb: {  	v14 =	vmul.f32 v9, v4;
	v15 =	vmul.f32 v9, v3  }
0xec: {  	v16 =	vmul.f32 v8, v3;
	v18 =	vmul.f32 v8, v5  }
0xed: {  	v3 =	vmul.f32 v14, v3;
	v14 =	vmul.f32 v14, v5;
	v19 =	vpop (erf)  }
0xee: {  	v5 =	vmul.f32 v15, v5;
	v20 =	vsub.f32 $1.000000000e+00, v19;
	v19 =	vadd.f32 $1.000000000e+00, v19  }
0xef: {  	v10 =	vmul.f32 v9, v10;
	v15 =	vsub.f32 v3, v18;
	v21 =	vadd.f32 v14, v16  }
0xf0: {  	v11 =	vmul.f32 v9, v11;
	v3 =	vadd.f32 v3, v18;
	(erf) = vrcp.f32 v19  }
0xf1: {  	v4 =	vmul.f32 v8, v4;
	v8 =	vsub.f32 $1.000000000e+00, v10;
	v10 =	vsub.f32 v14, v16;
	v14 =	vpop (erf)  }
0xf2: {  	v6 =	vmul.f32 v17, v6;
	v11 =	vsub.f32 $1.000000000e+00, v11;
	v16 =	vadd.f32 $1.000000000e+00, v14  }
0xf3: {  	v9 =	vmul.f32 v9, v13;
	v17 =	vadd.f32 v5, v4;
	v14 =	vsub.f32 $1.000000000e+00, v14;
	v13 =	vpop (erf)  }
0xf4: {  	s0 =	sand.u32 $0xC00, s30;
	s3 =	sor.u32 s30, s26;
	v6 =	vmul.f32 v13, v6;
	(erf) = vrcp.f32 v16  }
0xf5: {  	s8 =	sadd.s32 $0xE00, s0;
	s5 =	sadd.s32 $0x1F00, s0;
	s4 =	sand.u32 $0x60, s26  }
0xf6: {  	s7 =	sadd.s32 $0x1E80, s0;
	s6 =	sor.u32 s4, s8;
	v13 =	vmul.f32 $1.000000010e-01, v6  }
0xf7: {  	s17 =	sadd.s32 $0x1F80, s0;
	s19 =	sor.u32 $0x2000, s0;
	s9 =	sor.u32 s4, s5;
	[tilespmem:s6+$0x280] =	vst v11  }
0xf8: {  	s15 =	sor.u32 $0x2080, s0;
	s10 =	sor.u32 s4, s17;
	s11 =	sor.u32 s4, s19;
	v7 =	vmul.f32 v20, v7;
	[tilespmem:s6+$0x180] =	vst v13  }
0xf9: {  	s1 =	sand.u32 $0x3, s31;
	s12 =	sor.u32 $0x2100, s0;
	s16 =	sor.u32 s4, s15;
	[tilespmem:s6+$0x0] =	vst v8;
	v6 =	vpop (erf)  }
0xfa: {  	s1 =	sshll.u32 s1, $0x5;
	s14 =	sor.u32 $0x2180, s0;
	s13 =	sor.u32 s4, s12;
	v6 =	vmul.f32 v6, v7;
	[tilespmem:s6+$0x200] =	vst v3  }
0xfb: {  	s18 =	sadd.s32 s1, s30;
	s2 =	sor.u32 s4, s14;
	s1 =	sor.u32 $0x10, s4;
	v7 =	vsub.f32 v5, v4;
	[tilespmem:s6+$0x100] =	vst v21  }
0xfc: {  	s20 =	sor.u32 $0x300, s18;
	s3 =	sor.u32 $0x380, s3;
	v5 =	vmul.f32 v14, v12;
	v4 =	vmul.f32 $1.000000010e-01, v6;
	[tilespmem:s6+$0x80] =	vst v15;
	s6 =	sadd.s32 $0x10, s18  }
0xfd: {  	s0 =	sadd.s32 $0x1E00, s0;
	s18 =	sor.u32 s1, s17;
	s17 =	sor.u32 s1, s19;
	[tilespmem:s20+$0xE00] =	vst v7;
	v3 =	vpop (erf)  }
0xfe: {  	s5 =	sor.u32 s1, s5;
	s19 =	sor.u32 s1, s15;
	v3 =	vmul.f32 v3, v5;
	[tilespmem:s3+$0xE00] =	vst v4;
	s3 =	sor.u32 s4, s0  }
0xff: {  	s15 =	sor.u32 s4, s7;
	v4 =	vsub.f32 $1.000000000e+00, v9;
	s4 =	sor.u32 s1, s14;
	[tilespmem:s3+$0x0] =	vst v10;
	s3 =	sor.u32 s1, s12  }
0x100: {  	s7 =	sor.u32 s1, s7;
	v3 =	vmul.f32 $1.000000010e-01, v3;
	[tilespmem:s15+$0x0] =	vst v17  }
0x101: {  	[tilespmem:s9+$0x0] =	vst v4  }
0x102: {  	[tilespmem:s10+$0x0] =	vst v3  }
0x103: {  	[tilespmem:s11+$0x0] =	vst v2  }
0x104: {  	[tilespmem:s16+$0x0] =	vst v2  }
0x105: {  	s9 =	sand.u32 $0x180, s26;
	[tilespmem:s13+$0x0] =	vst v2  }
0x106: {  	[tilespmem:s2+$0x0] =	vst v0;
	s2 =	sor.u32 s9, s1  }
0x107: {  	v3 =	vld [tilespmem:s2+$0x800]  }
0x108: {  	v4 =	vld [tilespmem:s2+$0x400]  }
0x109: {  	v5 =	vld [tilespmem:s2+$0x200]  }
0x10a: {  	v7 =	vld [tilespmem:s2+$0x600]  }
0x10b: {  	v6 =	vld [tilespmem:s2+$0xA00]  }
0x10c: {  	v8 =	vand.u32 $0x7FFFFFFF, v3;
	v9 =	vand.u32 $0x80000000, v3;
	v10 =	vld [tilespmem:s2+$0xC00]  }
0x10d: {  	v11 =	vand.u32 $0x7FFFFFFF, v4;
	v12 =	vand.u32 $0x80000000, v4;
	vm0 =	vlt.f32 v4, $0.0e+00  }
0x10e: {  	v13 =	vand.u32 $0x7FFFFFFF, v5;
	v14 =	vand.u32 $0x80000000, v5;
	v11 =	vmul.f32 $-2.000000000e+00, v11  }
0x10f: {  	vm1 =	vgt.f32 v5, $0.0e+00;
	v13 =	vmul.f32 $-2.000000000e+00, v13;
	v15 =	vand.u32 $0x7FFFFFFF, v7  }
0x110: {  	vm2 =	vlt.f32 v5, $0.0e+00;
	v11 =	vmul.f32 $1.442695020e+00, v11;
	v15 =	vmul.f32 $-2.000000000e+00, v15  }
0x111: {  	vm1 =	vmor vm1, vm2;
	vm2 =	vgt.f32 v3, $0.0e+00;
	v13 =	vmul.f32 $1.442695020e+00, v13  }
0x112: {  	vm3 =	vlt.f32 v3, $0.0e+00;
	v15 =	vmul.f32 $1.442695020e+00, v15;
	(erf) = vpow2.f32 v11  }
0x113: {  	vm2 =	vmor vm2, vm3;
	v11 =	vor.u32 v14, v1;
	(erf) = vpow2.f32 v13  }
0x114: {  	v5 =	vsel vm1, v11, v5;
	v11 =	vand.u32 $0x80000000, v7;
	(erf) = vpow2.f32 v15  }
0x115: {  	vm4 =	vgt.f32 v7, $0.0e+00;
	vm3 =	vlt.f32 v7, $0.0e+00;
	vm1 =	vgt.f32 v4, $0.0e+00  }
0x116: {  	v12 =	vor.u32 v12, v1;
	vm0 =	vmor vm1, vm0;
	vm1 =	vmor vm4, vm3  }
0x117: {  	v4 =	vsel vm0, v12, v4;
	v12 =	vand.u32 $0x7FFFFFFF, v6;
	vm0 =	vgt.f32 v6, $0.0e+00  }
0x118: {  	v14 =	vand.u32 $0x7FFFFFFF, v10;
	v13 =	vand.u32 $0x80000000, v6;
	v12 =	vmul.f32 $-2.000000000e+00, v12  }
0x119: {  	v14 =	vmul.f32 $-2.000000000e+00, v14;
	v15 =	vand.u32 $0x80000000, v10;
	vm3 =	vlt.f32 v10, $0.0e+00  }
0x11a: {  	vm4 =	vgt.f32 v10, $0.0e+00;
	v15 =	vor.u32 v15, v1;
	v12 =	vmul.f32 $1.442695020e+00, v12  }
0x11b: {  	v9 =	vor.u32 v9, v1;
	v14 =	vmul.f32 $1.442695020e+00, v14;
	vm3 =	vmor vm4, vm3;
	v16 =	vpop (erf)  }
0x11c: {  	v18 =	vsel vm2, v9, v3;
	v17 =	vsub.f32 $1.000000000e+00, v16;
	v16 =	vadd.f32 $1.000000000e+00, v16;
	v3 =	vpop (erf)  }
0x11d: {  	v9 =	vsub.f32 $1.000000000e+00, v3;
	v3 =	vadd.f32 $1.000000000e+00, v3;
	v19 =	vpop (erf);
	(erf) = vpow2.f32 v12  }
0x11e: {  	v12 =	vsub.f32 $1.000000000e+00, v19;
	v19 =	vadd.f32 $1.000000000e+00, v19;
	(erf) = vrcp.f32 v16  }
0x11f: {  	v15 =	vsel vm3, v15, v10;
	(erf) = vrcp.f32 v3  }
0x120: {  	(erf) = vrcp.f32 v19  }
0x121: {  	(erf) = vpow2.f32 v14;
	_ =	sdelay $0x2  }
0x122: {  	v3 =	vmul.f32 $-2.000000000e+00, v8  }
0x123: {  	v14 =	vor.u32 v11, v1  }
0x124: {  	v4 =	vmul.f32 v17, v4;
	v3 =	vmul.f32 $1.442695020e+00, v3;
	v7 =	vsel vm1, v14, v7;
	v8 =	vpop (erf)  }
0x125: {  	v11 =	vmul.f32 v9, v5;
	v12 =	vmul.f32 v12, v7;
	v9 =	vadd.f32 $1.000000000e+00, v8;
	v10 =	vpop (erf)  }
0x126: {  	v8 =	vsub.f32 $1.000000000e+00, v8;
	v4 =	vmul.f32 v10, v4;
	v10 =	vpop (erf);
	(erf) = vpow2.f32 v3  }
0x127: {  	v3 =	vmul.f32 v10, v11;
	v5 =	vpop (erf);
	(erf) = vrcp.f32 v9  }
0x128: {  	v5 =	vmul.f32 v5, v12;
	v7 =	vpop (erf)  }
0x129: {  	v14 =	vmul.f32 $8.726646010e-02, v4;
	v3 =	vmul.f32 $8.726646010e-02, v3;
	v4 =	vadd.f32 $1.000000000e+00, v7  }
0x12a: {  	v11 =	vsub.f32 $1.000000000e+00, v7;
	v5 =	vmul.f32 $8.726646010e-02, v5  }
0x12b: {  	v9 =	vmul.f32 v14, v14;
	v7 =	vmul.f32 v3, v3  }
0x12c: {  	(erf) = vrcp.f32 v4  }
0x12d: {  	vm1 =	vlt.f32 v6, $0.0e+00;
	v10 =	vmul.f32 v5, v5;
	v4 =	vadd.f32 v9, v7  }
0x12e: {  	vm0 =	vmor vm0, vm1;
	v12 =	vor.u32 v13, v1  }
0x12f: {  	v6 =	vsel vm0, v12, v6;
	v9 =	vadd.f32 v10, v9;
	v12 =	vadd.f32 v10, v4;
	v13 =	vpop (erf)  }
0x130: {  	v6 =	vmul.f32 v8, v6;
	v16 =	vsub.f32 $1.000000000e+00, v13;
	v13 =	vadd.f32 $1.000000000e+00, v13;
	v8 =	vpop (erf)  }
0x131: {  	v10 =	vadd.f32 v10, v7;
	v17 =	vmul.f32 $1.984127010e-04, v12;
	v19 =	vmul.f32 $2.480158760e-05, v12  }
0x132: {  	s8 =	sor.u32 s1, s8;
	v16 =	vmul.f32 v16, v18;
	(erf) = vrcp.f32 v13  }
0x133: {  	v7 =	vmul.f32 v8, v6;
	v17 =	vsub.f32 $8.333333770e-03, v17;
	v8 =	vsub.f32 $1.388888920e-03, v19  }
0x134: {  	v11 =	vmul.f32 v11, v15  }
0x135: {  	v13 =	vmul.f32 v17, v12;
	v8 =	vmul.f32 v8, v12;
	v6 =	vpop (erf)  }
0x136: {  	v6 =	vmul.f32 v6, v11  }
0x137: {  	v11 =	vadd.f32 $-1.666666720e-01, v13;
	v8 =	vadd.f32 $-4.166666790e-02, v8;
	_ =	sdelay $0x1  }
0x138: {  	v11 =	vmul.f32 v11, v12;
	v8 =	vmul.f32 v8, v12;
	_ =	sdelay $0x1  }
.Ltmp0:
0x139: {  	v8 =	vadd.f32 $5.000000000e-01, v8;
	v12 =	vpop (erf);
	(pc) =	sbr.rel @p0 .LBB2_2-.Ltmp0, $4  }
0x13a: {  	v13 =	vmul.f32 v12, v16;
	v12 =	vadd.f32 $1.000000000e+00, v11  }
0x13b: {  	s22 =	sadd.s32 $0x20, s22;
	v18 =	vmul.f32 v8, v3;
	v16 =	vmul.f32 v8, v14  }
0x13c: {  	s23 =	sadd.s32 $0x20, s23;
	s24 =	sadd.s32 $0x20, s24;
	s25 =	sadd.s32 $0x20, s25;
	v11 =	vmul.f32 v12, v14;
	v15 =	vmul.f32 v12, v5  }
0x13d: {  	s29 =	sadd.s32 $0x20, s29;
	s28 =	sadd.s32 $0x20, s28;
	s26 =	sadd.s32 $0x20, s26;
	v17 =	vmul.f32 v18, v14;
	v14 =	vmul.f32 v18, v5  }
0x13e: {  	v13 =	vmul.f32 $1.000000010e-01, v13  }
0x13f: {  	v18 =	vadd.f32 v14, v11  }
0x140: {  	v9 =	vmul.f32 v8, v9;
	v19 =	vadd.f32 v17, v15;
	[tilespmem:s8+$0x180] =	vst v13  }
0x141: {  	v10 =	vmul.f32 v8, v10;
	v60 =	vsub.f32 v17, v15;
	[tilespmem:s8+$0x100] =	vst v18  }
0x142: {  	v5 =	vmul.f32 v16, v5;
	v3 =	vmul.f32 v12, v3;
	v9 =	vsub.f32 $1.000000000e+00, v9;
	[tilespmem:s8+$0x200] =	vst v19  }
0x143: {  	v10 =	vsub.f32 $1.000000000e+00, v10;
	[tilespmem:s8+$0x80] =	vst v60  }
0x144: {  	v61 =	vsub.f32 v5, v3;
	[tilespmem:s8+$0x0] =	vst v9  }
0x145: {  	s2 =	sor.u32 $0x300, s6;
	v7 =	vmul.f32 $1.000000010e-01, v7;
	[tilespmem:s8+$0x280] =	vst v10  }
0x146: {  	v4 =	vmul.f32 v8, v4;
	s24 =	sor.u32 $0x380, s6;
	v62 =	vsub.f32 v14, v11;
	[tilespmem:s2+$0xE00] =	vst v61  }
0x147: {  	s0 =	sor.u32 s1, s0;
	v3 =	vadd.f32 v5, v3;
	[tilespmem:s24+$0xE00] =	vst v7  }
0x148: {  	v4 =	vsub.f32 $1.000000000e+00, v4;
	[tilespmem:s0+$0x0] =	vst v62  }
0x149: {  	v63 =	vmul.f32 $1.000000010e-01, v6;
	[tilespmem:s7+$0x0] =	vst v3  }
0x14a: {  	[tilespmem:s5+$0x0] =	vst v4  }
0x14b: {  	[tilespmem:s18+$0x0] =	vst v63  }
0x14c: {  	[tilespmem:s17+$0x0] =	vst v2  }
0x14d: {  	[tilespmem:s19+$0x0] =	vst v2  }
0x14e: {  	s25 =	rddreg [dreg:$0xa];
	s26 =	simm.s32 $0x1000;
	[tilespmem:s3+$0x0] =	vst v2  }
0x14f: {  	s28 =	simm.s32 $0x20000;
	s29 =	simm.s32 $0xE00;
	s1 =	simm.s32 $0x5;
	[tilespmem:s4+$0x0] =	vst v0  }
0x150: {  	[hbm4b:s25+s26] =	stream.strided.scatter [tilespmem:s29], [sflag:$0x5], $0x2000, s28, s26, $0x38;
	[tilespmem:$0x2E00] =	vst v63  }
0x151: {  	_ =	swait.ge [sflag:s1], $0x2000  }
0x152: {  	s30 =	rddreg [dreg:$0xc]  }
0x153: {  	s31 =	rddreg [dreg:$0xb];
	s2 =	sadd.s32 $0x1, s30  }
0x154: {  	p0 =	sne.s32 s2, s31  }
.Ltmp1:
0x155: {  	_ = 	snop;
	(pc) =	sbr.rel @p0 .LBB2_1-.Ltmp1, $3  }
0x156: {  	_ =	sdelay $0x1  }
0x157: {  	[sflag:s1] =	ssyncset.done $0x0  }
0x158: {  	[sflag:s1] =	ssyncadd.s32 $0xFFFFE000  }
0x159: {  	_ =	sfence.sel $0x180000  }
0x15a: {  	[bflag:$0x0] =	sbarrier.arrive $0xFFFF  }
0x15b: {  	_ =	strace $0x90000047  }
0x15c: {  	s0 =	stileid.u32;
	[bflag:$0x2] =	sbarrier.arrive $0xFFFF  }
0x15d: {  	p0 =	sne.s32 s0, $0x0;
	s0 =	rddreg [dreg:$0x2]  }
0x15e: {  	s0 =	sadd.s32 @!p0 $0x100000, s0  }
0x15f: {  	[sflag:s0] =	ssyncadd.tile.s32 @!p0 $0x1;
	_ =	shalt  }
.Lfunc_end2:
_tile_overlayer_lowered:
.L_overlay_start_2:
0x160: {  	(tag) =	ssettag $0x2  }
0x161: {  	s0 =	rddreg [dreg:$0x0];
	s2 =	stileid.u32  }
0x162: {  	s1 =	rddreg [dreg:$0x1];
	p0 =	sne.s32 s2, $0x0  }
0x163: {  	s3 =	rddreg [dreg:$0x2];
	[bflag:$0x3] =	sbarrier.arrive $0xFFFF;
	s2 =	simm.s32 @!p0 $0x1C05  }
0x164: {  	[timem:s3], [sflag:s2] =	dma.local @!p0 [hbm:s0], s1  }
0x165: {  	s0 =	simm.s32 @!p0 $0x5  }
0x166: {  	_ =	swait.ge @!p0 [sflag:s0], s1  }
0x167: {  	s1 =	ssub.s32 @!p0 $0x0, s1;
	[sflag:s0] =	ssyncset.done @!p0 $0x0  }
0x168: {  	[sflag:s0] =	ssyncadd.s32 @!p0 s1  }
0x169: {  	[bflag:$0x3] =	sbarrier.arrive $0xFFFF  }
0x16a: {  	_ =	shalt  }

</sc_bundles>
